<compile_context>
chip_gen: v7x
topology: tpu7x:2x2x1
jax: 0.10.2.dev20260603
libtpu: 0.0.44.dev20260713+nightly
codegen_flags: <defaults>
</compile_context>

<pallas_src>
import functools

import numpy as np
import jax
import jax.numpy as jnp
from jax import lax
from jax.experimental import pallas as pl
from jax.experimental.pallas import tpu as pltpu
from jax.experimental.pallas import tpu_sc as plsc

_CUT_WIDTH = 64
_STRIPES_NUM = 2

_NC = 2
_NS = 16
_NW = _NC * _NS

_CH = 128
_NBUF = 7


@functools.lru_cache(maxsize=None)
def _gather_rows(batch: int, width: int) -> np.ndarray:
    rng = np.random.default_rng(0)
    perm = rng.permutation(batch)
    src = np.tile(np.arange(batch, dtype=np.int64)[:, None], (1, width))
    for n in range(batch):
        for _ in range(_STRIPES_NUM):
            distance = int(rng.integers(0, _CUT_WIDTH))
            bgn = int(rng.integers(0, width - distance))
            if distance:
                src[n, bgn:bgn + distance] = perm[n]
    rows = src * width + np.arange(width)[None, :]
    return rows.reshape(-1).astype(np.int32)


def _sc_gather(x, idx, rows, feat, n_chunk):
    mesh = plsc.VectorSubcoreMesh(core_axis_name="c", subcore_axis_name="s")

    @functools.partial(
        pl.kernel,
        out_type=jax.ShapeDtypeStruct((rows, feat), jnp.float32),
        mesh=mesh,
        scratch_types=[
            pltpu.VMEM((n_chunk, _CH), jnp.int32),
        ] + [pltpu.VMEM((_CH, feat), jnp.float32)] * _NBUF
          + [pltpu.SemaphoreType.DMA] * (2 * _NBUF),
    )
    def body(x_hbm, idx_hbm, out_hbm, idx_v, *bufs_sems):
        bufs = bufs_sems[:_NBUF]
        gsems = bufs_sems[_NBUF:2 * _NBUF]
        wsems = bufs_sems[2 * _NBUF:]
        wid = lax.axis_index("s") * _NC + lax.axis_index("c")
        base = wid * (n_chunk * _CH)
        pltpu.sync_copy(idx_hbm.at[wid], idx_v)

        def gather(c):
            b = c % _NBUF
            return pltpu.async_copy(x_hbm.at[idx_v.at[c]], bufs[b], gsems[b])

        gh = {c: gather(c) for c in range(min(_NBUF, n_chunk))}
        wh = {}
        for c in range(n_chunk):
            if c > 0 and c - 1 + _NBUF < n_chunk:
                wh[c - 1].wait()
                gh[c - 1 + _NBUF] = gather(c - 1 + _NBUF)
            gh[c].wait()
            wh[c] = pltpu.async_copy(
                bufs[c % _NBUF], out_hbm.at[pl.ds(base + c * _CH, _CH)],
                wsems[c % _NBUF])
        for c in range(max(0, n_chunk - _NBUF), n_chunk):
            wh[c].wait()

    return body(x, idx)


def kernel(input):
    batch, chan, width, feat = input.shape
    rows = batch * chan * width
    per_w = rows // _NW
    n_chunk = per_w // _CH
    g = _gather_rows(batch, width).reshape(_NW, n_chunk, _CH)
    x = input.reshape(rows, feat)
    out = _sc_gather(x, jnp.asarray(g), rows, feat, n_chunk)
    return out.reshape(input.shape)

# --- scband reference (transcript-rebuilt; emitter-appended) ---
"""Pipeline reference for scband-cut-stripes-29523605193347 (READ-ONLY COPY).

The authoritative reference and input builder live on the scoring server;
editing this copy changes nothing except your own understanding.
"""

import jax, jax.numpy as jnp
import numpy as np

DIM = 2
CUT_WIDTH = 64
STRIPES_NUM = 2


def setup_inputs(seed: int = 0) -> dict:
    key = jax.random.key(seed)
    x = jax.random.normal(key, (64, 1, 2048, 128), dtype=jnp.float32)
    return {"input": x}


def _stripe_params(batch_size, total_width):
    # The torch module draws a random batch permutation and random stripe
    # (begin, width) pairs each forward call. We fix them with a seeded
    # numpy RNG so the reference is deterministic.
    rng = np.random.default_rng(0)
    perm = rng.permutation(batch_size)
    stripes = []
    for _ in range(batch_size):
        s = []
        for _ in range(STRIPES_NUM):
            distance = int(rng.integers(0, CUT_WIDTH))  # torch.randint(0, cut_width)
            bgn = int(rng.integers(0, total_width - distance))
            s.append((bgn, distance))
        stripes.append(s)
    return perm, stripes


def reference(input):
    # Faithful training-mode forward of CutStripes:
    #   rand_ = input[perm]  (snapshot of permuted batch, taken BEFORE any writes)
    #   for each sample n: overwrite stripes_num random stripes along DIM
    #   with the corresponding slices from rand_[n] (scatter-overwrite).
    assert input.ndim == 4
    batch_size = input.shape[0]
    total_width = input.shape[DIM]
    perm, stripes = _stripe_params(batch_size, total_width)
    rand_ = jnp.take(input, jnp.asarray(perm), axis=0)
    out = input
    for n in range(batch_size):
        for (bgn, distance) in stripes[n]:
            if distance == 0:
                continue
            if DIM == 2:
                out = out.at[n, :, bgn:bgn + distance, :].set(
                    rand_[n, :, bgn:bgn + distance, :])
            else:
                out = out.at[n, :, :, bgn:bgn + distance].set(
                    rand_[n, :, :, bgn:bgn + distance])
    return out

if __name__ == "__main__":
    import jax
    _d = setup_inputs()
    print(jax.jit(kernel)(*tuple(_d.values())))

</pallas_src>

<mosaic_0001>
#map = affine_map<(d0, d1) -> (0, 0)>
#map1 = affine_map<(d0, d1) -> (0, 0, 0)>
module attributes {stable_mosaic.version = 14 : i64} {
  func.func @body(%arg0: i32, %arg1: i32, %arg2: memref<131072x128xf32, #tpu.memory_space<hbm>>, %arg3: memref<32x32x128xi32, #tpu.memory_space<hbm>>, %arg4: memref<131072x128xf32, #tpu.memory_space<hbm>>, %arg5: memref<32x128xi32, #tpu.memory_space<vmem>>, %arg6: memref<128x128xf32, #tpu.memory_space<vmem>>, %arg7: memref<128x128xf32, #tpu.memory_space<vmem>>, %arg8: memref<128x128xf32, #tpu.memory_space<vmem>>, %arg9: memref<128x128xf32, #tpu.memory_space<vmem>>, %arg10: memref<128x128xf32, #tpu.memory_space<vmem>>, %arg11: memref<128x128xf32, #tpu.memory_space<vmem>>, %arg12: memref<128x128xf32, #tpu.memory_space<vmem>>, %arg13: memref<!tpu.dma_semaphore, #tpu.memory_space<semaphore_mem>>, %arg14: memref<!tpu.dma_semaphore, #tpu.memory_space<semaphore_mem>>, %arg15: memref<!tpu.dma_semaphore, #tpu.memory_space<semaphore_mem>>, %arg16: memref<!tpu.dma_semaphore, #tpu.memory_space<semaphore_mem>>, %arg17: memref<!tpu.dma_semaphore, #tpu.memory_space<semaphore_mem>>, %arg18: memref<!tpu.dma_semaphore, #tpu.memory_space<semaphore_mem>>, %arg19: memref<!tpu.dma_semaphore, #tpu.memory_space<semaphore_mem>>, %arg20: memref<!tpu.dma_semaphore, #tpu.memory_space<semaphore_mem>>, %arg21: memref<!tpu.dma_semaphore, #tpu.memory_space<semaphore_mem>>, %arg22: memref<!tpu.dma_semaphore, #tpu.memory_space<semaphore_mem>>, %arg23: memref<!tpu.dma_semaphore, #tpu.memory_space<semaphore_mem>>, %arg24: memref<!tpu.dma_semaphore, #tpu.memory_space<semaphore_mem>>, %arg25: memref<!tpu.dma_semaphore, #tpu.memory_space<semaphore_mem>>, %arg26: memref<!tpu.dma_semaphore, #tpu.memory_space<semaphore_mem>>) attributes {dimension_semantics = [#tpu.dimension_semantics<core_parallel>, #tpu.dimension_semantics<subcore_parallel>], iteration_bounds = array<i64: 2, 16>, scalar_prefetch = 0 : i64, scratch_operands = 22 : i64, tpu.core_type = #tpu.core_type<sc_vector_subcore>, window_params = [{transform_indices = #map}, {transform_indices = #map1}, {transform_indices = #map}]} {
    %mul3A = arith.constant 2 : i32
    %mul3A_0 = arith.muli %arg1, %mul3A : i32
    %add3A = arith.addi %mul3A_0, %arg0 : i32
    %mul3A_1 = arith.constant 4096 : i32
    %mul3A_2 = arith.muli %add3A, %mul3A_1 : i32
    "tpu.region"() ({
      %run_scoped3A = tpu.sem_alloc : memref<!tpu.dma_semaphore, #tpu.memory_space<semaphore_mem>>
      %dma_start3A_769 = arith.constant 0 : i32
      %dma_start3A_770 = arith.constant 0 : i32
      %dma_start3A_771 = tpu.memref_slice %arg3[%add3A, %dma_start3A_769, %dma_start3A_770] : memref<32x32x128xi32, #tpu.memory_space<hbm>> -> memref<1x32x128xi32, #tpu.memory_space<hbm>>
      %dma_start3A_772 = tpu.memref_squeeze %dma_start3A_771 : memref<1x32x128xi32, #tpu.memory_space<hbm>> -> memref<32x128xi32, #tpu.memory_space<hbm>>
      %dma_start3A_773 = arith.constant 0 : i32
      %dma_start3A_774 = arith.constant 0 : i32
      %dma_start3A_775 = tpu.memref_slice %arg3[%add3A, %dma_start3A_773, %dma_start3A_774] : memref<32x32x128xi32, #tpu.memory_space<hbm>> -> memref<1x32x128xi32, #tpu.memory_space<hbm>>
      %dma_start3A_776 = tpu.memref_squeeze %dma_start3A_775 : memref<1x32x128xi32, #tpu.memory_space<hbm>> -> memref<32x128xi32, #tpu.memory_space<hbm>>
      tpu.enqueue_dma source(%dma_start3A_776 : memref<32x128xi32, #tpu.memory_space<hbm>>) target(%arg5 : memref<32x128xi32, #tpu.memory_space<vmem>>) target_semaphore(%run_scoped3A : memref<!tpu.dma_semaphore, #tpu.memory_space<semaphore_mem>>)
      %dma_wait3A_777 = arith.constant 0 : i32
      %dma_wait3A_778 = arith.constant 0 : i32
      %dma_wait3A_779 = tpu.memref_slice %arg3[%add3A, %dma_wait3A_777, %dma_wait3A_778] : memref<32x32x128xi32, #tpu.memory_space<hbm>> -> memref<1x32x128xi32, #tpu.memory_space<hbm>>
      %dma_wait3A_780 = tpu.memref_squeeze %dma_wait3A_779 : memref<1x32x128xi32, #tpu.memory_space<hbm>> -> memref<32x128xi32, #tpu.memory_space<hbm>>
      %dma_wait3A_781 = arith.constant 0 : i32
      %dma_wait3A_782 = arith.constant 0 : i32
      %dma_wait3A_783 = tpu.memref_slice %arg3[%add3A, %dma_wait3A_781, %dma_wait3A_782] : memref<32x32x128xi32, #tpu.memory_space<hbm>> -> memref<1x32x128xi32, #tpu.memory_space<hbm>>
      %dma_wait3A_784 = tpu.memref_squeeze %dma_wait3A_783 : memref<1x32x128xi32, #tpu.memory_space<hbm>> -> memref<32x128xi32, #tpu.memory_space<hbm>>
      tpu.wait_dma2 semaphore(%run_scoped3A : memref<!tpu.dma_semaphore, #tpu.memory_space<semaphore_mem>>) src(%dma_wait3A_784 : memref<32x128xi32, #tpu.memory_space<hbm>>) dst(%arg5 : memref<32x128xi32, #tpu.memory_space<vmem>>)
      tpu.yield
    }) : () -> ()
    %dma_start3A = arith.constant 0 : i32
    %dma_start3A_3 = arith.constant 0 : i32
    %dma_start3A_4 = tpu.memref_slice %arg5[%dma_start3A, %dma_start3A_3] : memref<32x128xi32, #tpu.memory_space<vmem>> -> memref<1x128xi32, #tpu.memory_space<vmem>>
    %dma_start3A_5 = tpu.memref_squeeze %dma_start3A_4 : memref<1x128xi32, #tpu.memory_space<vmem>> -> memref<128xi32, #tpu.memory_space<vmem>>
    %dma_start3A_6 = arith.constant 0 : i32
    %dma_start3A_7 = arith.constant 0 : i32
    %dma_start3A_8 = tpu.memref_slice %arg2[%dma_start3A_6, %dma_start3A_7] : memref<131072x128xf32, #tpu.memory_space<hbm>> -> memref<131072x128xf32, #tpu.memory_space<hbm>>
    tpu.enqueue_indirect_dma source(%dma_start3A_8 : memref<131072x128xf32, #tpu.memory_space<hbm>>) target(%arg6 : memref<128x128xf32, #tpu.memory_space<vmem>>) offsets(%dma_start3A_5 : memref<128xi32, #tpu.memory_space<vmem>>) semaphore(%arg13 : memref<!tpu.dma_semaphore, #tpu.memory_space<semaphore_mem>>)
    %dma_start3A_9 = arith.constant 1 : i32
    %dma_start3A_10 = arith.constant 0 : i32
    %dma_start3A_11 = tpu.memref_slice %arg5[%dma_start3A_9, %dma_start3A_10] : memref<32x128xi32, #tpu.memory_space<vmem>> -> memref<1x128xi32, #tpu.memory_space<vmem>>
    %dma_start3A_12 = tpu.memref_squeeze %dma_start3A_11 : memref<1x128xi32, #tpu.memory_space<vmem>> -> memref<128xi32, #tpu.memory_space<vmem>>
    %dma_start3A_13 = arith.constant 0 : i32
    %dma_start3A_14 = arith.constant 0 : i32
    %dma_start3A_15 = tpu.memref_slice %arg2[%dma_start3A_13, %dma_start3A_14] : memref<131072x128xf32, #tpu.memory_space<hbm>> -> memref<131072x128xf32, #tpu.memory_space<hbm>>
    tpu.enqueue_indirect_dma source(%dma_start3A_15 : memref<131072x128xf32, #tpu.memory_space<hbm>>) target(%arg7 : memref<128x128xf32, #tpu.memory_space<vmem>>) offsets(%dma_start3A_12 : memref<128xi32, #tpu.memory_space<vmem>>) semaphore(%arg14 : memref<!tpu.dma_semaphore, #tpu.memory_space<semaphore_mem>>)
    %dma_start3A_16 = arith.constant 2 : i32
    %dma_start3A_17 = arith.constant 0 : i32
    %dma_start3A_18 = tpu.memref_slice %arg5[%dma_start3A_16, %dma_start3A_17] : memref<32x128xi32, #tpu.memory_space<vmem>> -> memref<1x128xi32, #tpu.memory_space<vmem>>
    %dma_start3A_19 = tpu.memref_squeeze %dma_start3A_18 : memref<1x128xi32, #tpu.memory_space<vmem>> -> memref<128xi32, #tpu.memory_space<vmem>>
    %dma_start3A_20 = arith.constant 0 : i32
    %dma_start3A_21 = arith.constant 0 : i32
    %dma_start3A_22 = tpu.memref_slice %arg2[%dma_start3A_20, %dma_start3A_21] : memref<131072x128xf32, #tpu.memory_space<hbm>> -> memref<131072x128xf32, #tpu.memory_space<hbm>>
    tpu.enqueue_indirect_dma source(%dma_start3A_22 : memref<131072x128xf32, #tpu.memory_space<hbm>>) target(%arg8 : memref<128x128xf32, #tpu.memory_space<vmem>>) offsets(%dma_start3A_19 : memref<128xi32, #tpu.memory_space<vmem>>) semaphore(%arg15 : memref<!tpu.dma_semaphore, #tpu.memory_space<semaphore_mem>>)
    %dma_start3A_23 = arith.constant 3 : i32
    %dma_start3A_24 = arith.constant 0 : i32
    %dma_start3A_25 = tpu.memref_slice %arg5[%dma_start3A_23, %dma_start3A_24] : memref<32x128xi32, #tpu.memory_space<vmem>> -> memref<1x128xi32, #tpu.memory_space<vmem>>
    %dma_start3A_26 = tpu.memref_squeeze %dma_start3A_25 : memref<1x128xi32, #tpu.memory_space<vmem>> -> memref<128xi32, #tpu.memory_space<vmem>>
    %dma_start3A_27 = arith.constant 0 : i32
    %dma_start3A_28 = arith.constant 0 : i32
    %dma_start3A_29 = tpu.memref_slice %arg2[%dma_start3A_27, %dma_start3A_28] : memref<131072x128xf32, #tpu.memory_space<hbm>> -> memref<131072x128xf32, #tpu.memory_space<hbm>>
    tpu.enqueue_indirect_dma source(%dma_start3A_29 : memref<131072x128xf32, #tpu.memory_space<hbm>>) target(%arg9 : memref<128x128xf32, #tpu.memory_space<vmem>>) offsets(%dma_start3A_26 : memref<128xi32, #tpu.memory_space<vmem>>) semaphore(%arg16 : memref<!tpu.dma_semaphore, #tpu.memory_space<semaphore_mem>>)
    %dma_start3A_30 = arith.constant 4 : i32
    %dma_start3A_31 = arith.constant 0 : i32
    %dma_start3A_32 = tpu.memref_slice %arg5[%dma_start3A_30, %dma_start3A_31] : memref<32x128xi32, #tpu.memory_space<vmem>> -> memref<1x128xi32, #tpu.memory_space<vmem>>
    %dma_start3A_33 = tpu.memref_squeeze %dma_start3A_32 : memref<1x128xi32, #tpu.memory_space<vmem>> -> memref<128xi32, #tpu.memory_space<vmem>>
    %dma_start3A_34 = arith.constant 0 : i32
    %dma_start3A_35 = arith.constant 0 : i32
    %dma_start3A_36 = tpu.memref_slice %arg2[%dma_start3A_34, %dma_start3A_35] : memref<131072x128xf32, #tpu.memory_space<hbm>> -> memref<131072x128xf32, #tpu.memory_space<hbm>>
    tpu.enqueue_indirect_dma source(%dma_start3A_36 : memref<131072x128xf32, #tpu.memory_space<hbm>>) target(%arg10 : memref<128x128xf32, #tpu.memory_space<vmem>>) offsets(%dma_start3A_33 : memref<128xi32, #tpu.memory_space<vmem>>) semaphore(%arg17 : memref<!tpu.dma_semaphore, #tpu.memory_space<semaphore_mem>>)
    %dma_start3A_37 = arith.constant 5 : i32
    %dma_start3A_38 = arith.constant 0 : i32
    %dma_start3A_39 = tpu.memref_slice %arg5[%dma_start3A_37, %dma_start3A_38] : memref<32x128xi32, #tpu.memory_space<vmem>> -> memref<1x128xi32, #tpu.memory_space<vmem>>
    %dma_start3A_40 = tpu.memref_squeeze %dma_start3A_39 : memref<1x128xi32, #tpu.memory_space<vmem>> -> memref<128xi32, #tpu.memory_space<vmem>>
    %dma_start3A_41 = arith.constant 0 : i32
    %dma_start3A_42 = arith.constant 0 : i32
    %dma_start3A_43 = tpu.memref_slice %arg2[%dma_start3A_41, %dma_start3A_42] : memref<131072x128xf32, #tpu.memory_space<hbm>> -> memref<131072x128xf32, #tpu.memory_space<hbm>>
    tpu.enqueue_indirect_dma source(%dma_start3A_43 : memref<131072x128xf32, #tpu.memory_space<hbm>>) target(%arg11 : memref<128x128xf32, #tpu.memory_space<vmem>>) offsets(%dma_start3A_40 : memref<128xi32, #tpu.memory_space<vmem>>) semaphore(%arg18 : memref<!tpu.dma_semaphore, #tpu.memory_space<semaphore_mem>>)
    %dma_start3A_44 = arith.constant 6 : i32
    %dma_start3A_45 = arith.constant 0 : i32
    %dma_start3A_46 = tpu.memref_slice %arg5[%dma_start3A_44, %dma_start3A_45] : memref<32x128xi32, #tpu.memory_space<vmem>> -> memref<1x128xi32, #tpu.memory_space<vmem>>
    %dma_start3A_47 = tpu.memref_squeeze %dma_start3A_46 : memref<1x128xi32, #tpu.memory_space<vmem>> -> memref<128xi32, #tpu.memory_space<vmem>>
    %dma_start3A_48 = arith.constant 0 : i32
    %dma_start3A_49 = arith.constant 0 : i32
    %dma_start3A_50 = tpu.memref_slice %arg2[%dma_start3A_48, %dma_start3A_49] : memref<131072x128xf32, #tpu.memory_space<hbm>> -> memref<131072x128xf32, #tpu.memory_space<hbm>>
    tpu.enqueue_indirect_dma source(%dma_start3A_50 : memref<131072x128xf32, #tpu.memory_space<hbm>>) target(%arg12 : memref<128x128xf32, #tpu.memory_space<vmem>>) offsets(%dma_start3A_47 : memref<128xi32, #tpu.memory_space<vmem>>) semaphore(%arg19 : memref<!tpu.dma_semaphore, #tpu.memory_space<semaphore_mem>>)
    %dma_wait3A = arith.constant 0 : i32
    %dma_wait3A_51 = arith.constant 0 : i32
    %dma_wait3A_52 = tpu.memref_slice %arg5[%dma_wait3A, %dma_wait3A_51] : memref<32x128xi32, #tpu.memory_space<vmem>> -> memref<1x128xi32, #tpu.memory_space<vmem>>
    %dma_wait3A_53 = tpu.memref_squeeze %dma_wait3A_52 : memref<1x128xi32, #tpu.memory_space<vmem>> -> memref<128xi32, #tpu.memory_space<vmem>>
    %dma_wait3A_54 = arith.constant 0 : i32
    %dma_wait3A_55 = arith.constant 0 : i32
    %dma_wait3A_56 = tpu.memref_slice %arg2[%dma_wait3A_54, %dma_wait3A_55] : memref<131072x128xf32, #tpu.memory_space<hbm>> -> memref<131072x128xf32, #tpu.memory_space<hbm>>
    tpu.wait_indirect_dma semaphore(%arg13 : memref<!tpu.dma_semaphore, #tpu.memory_space<semaphore_mem>>) src(%dma_wait3A_56 : memref<131072x128xf32, #tpu.memory_space<hbm>>) dst(%arg6 : memref<128x128xf32, #tpu.memory_space<vmem>>)
    %add3A_57 = arith.constant 0 : i32
    %add3A_58 = arith.addi %mul3A_2, %add3A_57 : i32
    %dma_start3A_59 = arith.constant 0 : i32
    %dma_start3A_60 = tpu.memref_slice %arg4[%add3A_58, %dma_start3A_59] : memref<131072x128xf32, #tpu.memory_space<hbm>> -> memref<128x128xf32, #tpu.memory_space<hbm>>
    %dma_start3A_61 = arith.constant 0 : i32
    %dma_start3A_62 = tpu.memref_slice %arg4[%add3A_58, %dma_start3A_61] : memref<131072x128xf32, #tpu.memory_space<hbm>> -> memref<128x128xf32, #tpu.memory_space<hbm>>
    tpu.enqueue_dma source(%arg6 : memref<128x128xf32, #tpu.memory_space<vmem>>) target(%dma_start3A_62 : memref<128x128xf32, #tpu.memory_space<hbm>>) target_semaphore(%arg20 : memref<!tpu.dma_semaphore, #tpu.memory_space<semaphore_mem>>)
    %dma_wait3A_63 = arith.constant 0 : i32
    %dma_wait3A_64 = tpu.memref_slice %arg4[%add3A_58, %dma_wait3A_63] : memref<131072x128xf32, #tpu.memory_space<hbm>> -> memref<128x128xf32, #tpu.memory_space<hbm>>
    %dma_wait3A_65 = arith.constant 0 : i32
    %dma_wait3A_66 = tpu.memref_slice %arg4[%add3A_58, %dma_wait3A_65] : memref<131072x128xf32, #tpu.memory_space<hbm>> -> memref<128x128xf32, #tpu.memory_space<hbm>>
    tpu.wait_dma2 semaphore(%arg20 : memref<!tpu.dma_semaphore, #tpu.memory_space<semaphore_mem>>) src(%arg6 : memref<128x128xf32, #tpu.memory_space<vmem>>) dst(%dma_wait3A_66 : memref<128x128xf32, #tpu.memory_space<hbm>>)
    %dma_start3A_67 = arith.constant 7 : i32
    %dma_start3A_68 = arith.constant 0 : i32
    %dma_start3A_69 = tpu.memref_slice %arg5[%dma_start3A_67, %dma_start3A_68] : memref<32x128xi32, #tpu.memory_space<vmem>> -> memref<1x128xi32, #tpu.memory_space<vmem>>
    %dma_start3A_70 = tpu.memref_squeeze %dma_start3A_69 : memref<1x128xi32, #tpu.memory_space<vmem>> -> memref<128xi32, #tpu.memory_space<vmem>>
    %dma_start3A_71 = arith.constant 0 : i32
    %dma_start3A_72 = arith.constant 0 : i32
    %dma_start3A_73 = tpu.memref_slice %arg2[%dma_start3A_71, %dma_start3A_72] : memref<131072x128xf32, #tpu.memory_space<hbm>> -> memref<131072x128xf32, #tpu.memory_space<hbm>>
    tpu.enqueue_indirect_dma source(%dma_start3A_73 : memref<131072x128xf32, #tpu.memory_space<hbm>>) target(%arg6 : memref<128x128xf32, #tpu.memory_space<vmem>>) offsets(%dma_start3A_70 : memref<128xi32, #tpu.memory_space<vmem>>) semaphore(%arg13 : memref<!tpu.dma_semaphore, #tpu.memory_space<semaphore_mem>>)
    %dma_wait3A_74 = arith.constant 1 : i32
    %dma_wait3A_75 = arith.constant 0 : i32
    %dma_wait3A_76 = tpu.memref_slice %arg5[%dma_wait3A_74, %dma_wait3A_75] : memref<32x128xi32, #tpu.memory_space<vmem>> -> memref<1x128xi32, #tpu.memory_space<vmem>>
    %dma_wait3A_77 = tpu.memref_squeeze %dma_wait3A_76 : memref<1x128xi32, #tpu.memory_space<vmem>> -> memref<128xi32, #tpu.memory_space<vmem>>
    %dma_wait3A_78 = arith.constant 0 : i32
    %dma_wait3A_79 = arith.constant 0 : i32
    %dma_wait3A_80 = tpu.memref_slice %arg2[%dma_wait3A_78, %dma_wait3A_79] : memref<131072x128xf32, #tpu.memory_space<hbm>> -> memref<131072x128xf32, #tpu.memory_space<hbm>>
    tpu.wait_indirect_dma semaphore(%arg14 : memref<!tpu.dma_semaphore, #tpu.memory_space<semaphore_mem>>) src(%dma_wait3A_80 : memref<131072x128xf32, #tpu.memory_space<hbm>>) dst(%arg7 : memref<128x128xf32, #tpu.memory_space<vmem>>)
    %add3A_81 = arith.constant 128 : i32
    %add3A_82 = arith.addi %mul3A_2, %add3A_81 : i32
    %dma_start3A_83 = arith.constant 0 : i32
    %dma_start3A_84 = tpu.memref_slice %arg4[%add3A_82, %dma_start3A_83] : memref<131072x128xf32, #tpu.memory_space<hbm>> -> memref<128x128xf32, #tpu.memory_space<hbm>>
    %dma_start3A_85 = arith.constant 0 : i32
    %dma_start3A_86 = tpu.memref_slice %arg4[%add3A_82, %dma_start3A_85] : memref<131072x128xf32, #tpu.memory_space<hbm>> -> memref<128x128xf32, #tpu.memory_space<hbm>>
    tpu.enqueue_dma source(%arg7 : memref<128x128xf32, #tpu.memory_space<vmem>>) target(%dma_start3A_86 : memref<128x128xf32, #tpu.memory_space<hbm>>) target_semaphore(%arg21 : memref<!tpu.dma_semaphore, #tpu.memory_space<semaphore_mem>>)
    %dma_wait3A_87 = arith.constant 0 : i32
    %dma_wait3A_88 = tpu.memref_slice %arg4[%add3A_82, %dma_wait3A_87] : memref<131072x128xf32, #tpu.memory_space<hbm>> -> memref<128x128xf32, #tpu.memory_space<hbm>>
    %dma_wait3A_89 = arith.constant 0 : i32
    %dma_wait3A_90 = tpu.memref_slice %arg4[%add3A_82, %dma_wait3A_89] : memref<131072x128xf32, #tpu.memory_space<hbm>> -> memref<128x128xf32, #tpu.memory_space<hbm>>
    tpu.wait_dma2 semaphore(%arg21 : memref<!tpu.dma_semaphore, #tpu.memory_space<semaphore_mem>>) src(%arg7 : memref<128x128xf32, #tpu.memory_space<vmem>>) dst(%dma_wait3A_90 : memref<128x128xf32, #tpu.memory_space<hbm>>)
    %dma_start3A_91 = arith.constant 8 : i32
    %dma_start3A_92 = arith.constant 0 : i32
    %dma_start3A_93 = tpu.memref_slice %arg5[%dma_start3A_91, %dma_start3A_92] : memref<32x128xi32, #tpu.memory_space<vmem>> -> memref<1x128xi32, #tpu.memory_space<vmem>>
    %dma_start3A_94 = tpu.memref_squeeze %dma_start3A_93 : memref<1x128xi32, #tpu.memory_space<vmem>> -> memref<128xi32, #tpu.memory_space<vmem>>
    %dma_start3A_95 = arith.constant 0 : i32
    %dma_start3A_96 = arith.constant 0 : i32
    %dma_start3A_97 = tpu.memref_slice %arg2[%dma_start3A_95, %dma_start3A_96] : memref<131072x128xf32, #tpu.memory_space<hbm>> -> memref<131072x128xf32, #tpu.memory_space<hbm>>
    tpu.enqueue_indirect_dma source(%dma_start3A_97 : memref<131072x128xf32, #tpu.memory_space<hbm>>) target(%arg7 : memref<128x128xf32, #tpu.memory_space<vmem>>) offsets(%dma_start3A_94 : memref<128xi32, #tpu.memory_space<vmem>>) semaphore(%arg14 : memref<!tpu.dma_semaphore, #tpu.memory_space<semaphore_mem>>)
    %dma_wait3A_98 = arith.constant 2 : i32
    %dma_wait3A_99 = arith.constant 0 : i32
    %dma_wait3A_100 = tpu.memref_slice %arg5[%dma_wait3A_98, %dma_wait3A_99] : memref<32x128xi32, #tpu.memory_space<vmem>> -> memref<1x128xi32, #tpu.memory_space<vmem>>
    %dma_wait3A_101 = tpu.memref_squeeze %dma_wait3A_100 : memref<1x128xi32, #tpu.memory_space<vmem>> -> memref<128xi32, #tpu.memory_space<vmem>>
    %dma_wait3A_102 = arith.constant 0 : i32
    %dma_wait3A_103 = arith.constant 0 : i32
    %dma_wait3A_104 = tpu.memref_slice %arg2[%dma_wait3A_102, %dma_wait3A_103] : memref<131072x128xf32, #tpu.memory_space<hbm>> -> memref<131072x128xf32, #tpu.memory_space<hbm>>
    tpu.wait_indirect_dma semaphore(%arg15 : memref<!tpu.dma_semaphore, #tpu.memory_space<semaphore_mem>>) src(%dma_wait3A_104 : memref<131072x128xf32, #tpu.memory_space<hbm>>) dst(%arg8 : memref<128x128xf32, #tpu.memory_space<vmem>>)
    %add3A_105 = arith.constant 256 : i32
    %add3A_106 = arith.addi %mul3A_2, %add3A_105 : i32
    %dma_start3A_107 = arith.constant 0 : i32
    %dma_start3A_108 = tpu.memref_slice %arg4[%add3A_106, %dma_start3A_107] : memref<131072x128xf32, #tpu.memory_space<hbm>> -> memref<128x128xf32, #tpu.memory_space<hbm>>
    %dma_start3A_109 = arith.constant 0 : i32
    %dma_start3A_110 = tpu.memref_slice %arg4[%add3A_106, %dma_start3A_109] : memref<131072x128xf32, #tpu.memory_space<hbm>> -> memref<128x128xf32, #tpu.memory_space<hbm>>
    tpu.enqueue_dma source(%arg8 : memref<128x128xf32, #tpu.memory_space<vmem>>) target(%dma_start3A_110 : memref<128x128xf32, #tpu.memory_space<hbm>>) target_semaphore(%arg22 : memref<!tpu.dma_semaphore, #tpu.memory_space<semaphore_mem>>)
    %dma_wait3A_111 = arith.constant 0 : i32
    %dma_wait3A_112 = tpu.memref_slice %arg4[%add3A_106, %dma_wait3A_111] : memref<131072x128xf32, #tpu.memory_space<hbm>> -> memref<128x128xf32, #tpu.memory_space<hbm>>
    %dma_wait3A_113 = arith.constant 0 : i32
    %dma_wait3A_114 = tpu.memref_slice %arg4[%add3A_106, %dma_wait3A_113] : memref<131072x128xf32, #tpu.memory_space<hbm>> -> memref<128x128xf32, #tpu.memory_space<hbm>>
    tpu.wait_dma2 semaphore(%arg22 : memref<!tpu.dma_semaphore, #tpu.memory_space<semaphore_mem>>) src(%arg8 : memref<128x128xf32, #tpu.memory_space<vmem>>) dst(%dma_wait3A_114 : memref<128x128xf32, #tpu.memory_space<hbm>>)
    %dma_start3A_115 = arith.constant 9 : i32
    %dma_start3A_116 = arith.constant 0 : i32
    %dma_start3A_117 = tpu.memref_slice %arg5[%dma_start3A_115, %dma_start3A_116] : memref<32x128xi32, #tpu.memory_space<vmem>> -> memref<1x128xi32, #tpu.memory_space<vmem>>
    %dma_start3A_118 = tpu.memref_squeeze %dma_start3A_117 : memref<1x128xi32, #tpu.memory_space<vmem>> -> memref<128xi32, #tpu.memory_space<vmem>>
    %dma_start3A_119 = arith.constant 0 : i32
    %dma_start3A_120 = arith.constant 0 : i32
    %dma_start3A_121 = tpu.memref_slice %arg2[%dma_start3A_119, %dma_start3A_120] : memref<131072x128xf32, #tpu.memory_space<hbm>> -> memref<131072x128xf32, #tpu.memory_space<hbm>>
    tpu.enqueue_indirect_dma source(%dma_start3A_121 : memref<131072x128xf32, #tpu.memory_space<hbm>>) target(%arg8 : memref<128x128xf32, #tpu.memory_space<vmem>>) offsets(%dma_start3A_118 : memref<128xi32, #tpu.memory_space<vmem>>) semaphore(%arg15 : memref<!tpu.dma_semaphore, #tpu.memory_space<semaphore_mem>>)
    %dma_wait3A_122 = arith.constant 3 : i32
    %dma_wait3A_123 = arith.constant 0 : i32
    %dma_wait3A_124 = tpu.memref_slice %arg5[%dma_wait3A_122, %dma_wait3A_123] : memref<32x128xi32, #tpu.memory_space<vmem>> -> memref<1x128xi32, #tpu.memory_space<vmem>>
    %dma_wait3A_125 = tpu.memref_squeeze %dma_wait3A_124 : memref<1x128xi32, #tpu.memory_space<vmem>> -> memref<128xi32, #tpu.memory_space<vmem>>
    %dma_wait3A_126 = arith.constant 0 : i32
    %dma_wait3A_127 = arith.constant 0 : i32
    %dma_wait3A_128 = tpu.memref_slice %arg2[%dma_wait3A_126, %dma_wait3A_127] : memref<131072x128xf32, #tpu.memory_space<hbm>> -> memref<131072x128xf32, #tpu.memory_space<hbm>>
    tpu.wait_indirect_dma semaphore(%arg16 : memref<!tpu.dma_semaphore, #tpu.memory_space<semaphore_mem>>) src(%dma_wait3A_128 : memref<131072x128xf32, #tpu.memory_space<hbm>>) dst(%arg9 : memref<128x128xf32, #tpu.memory_space<vmem>>)
    %add3A_129 = arith.constant 384 : i32
    %add3A_130 = arith.addi %mul3A_2, %add3A_129 : i32
    %dma_start3A_131 = arith.constant 0 : i32
    %dma_start3A_132 = tpu.memref_slice %arg4[%add3A_130, %dma_start3A_131] : memref<131072x128xf32, #tpu.memory_space<hbm>> -> memref<128x128xf32, #tpu.memory_space<hbm>>
    %dma_start3A_133 = arith.constant 0 : i32
    %dma_start3A_134 = tpu.memref_slice %arg4[%add3A_130, %dma_start3A_133] : memref<131072x128xf32, #tpu.memory_space<hbm>> -> memref<128x128xf32, #tpu.memory_space<hbm>>
    tpu.enqueue_dma source(%arg9 : memref<128x128xf32, #tpu.memory_space<vmem>>) target(%dma_start3A_134 : memref<128x128xf32, #tpu.memory_space<hbm>>) target_semaphore(%arg23 : memref<!tpu.dma_semaphore, #tpu.memory_space<semaphore_mem>>)
    %dma_wait3A_135 = arith.constant 0 : i32
    %dma_wait3A_136 = tpu.memref_slice %arg4[%add3A_130, %dma_wait3A_135] : memref<131072x128xf32, #tpu.memory_space<hbm>> -> memref<128x128xf32, #tpu.memory_space<hbm>>
    %dma_wait3A_137 = arith.constant 0 : i32
    %dma_wait3A_138 = tpu.memref_slice %arg4[%add3A_130, %dma_wait3A_137] : memref<131072x128xf32, #tpu.memory_space<hbm>> -> memref<128x128xf32, #tpu.memory_space<hbm>>
    tpu.wait_dma2 semaphore(%arg23 : memref<!tpu.dma_semaphore, #tpu.memory_space<semaphore_mem>>) src(%arg9 : memref<128x128xf32, #tpu.memory_space<vmem>>) dst(%dma_wait3A_138 : memref<128x128xf32, #tpu.memory_space<hbm>>)
    %dma_start3A_139 = arith.constant 10 : i32
    %dma_start3A_140 = arith.constant 0 : i32
    %dma_start3A_141 = tpu.memref_slice %arg5[%dma_start3A_139, %dma_start3A_140] : memref<32x128xi32, #tpu.memory_space<vmem>> -> memref<1x128xi32, #tpu.memory_space<vmem>>
    %dma_start3A_142 = tpu.memref_squeeze %dma_start3A_141 : memref<1x128xi32, #tpu.memory_space<vmem>> -> memref<128xi32, #tpu.memory_space<vmem>>
    %dma_start3A_143 = arith.constant 0 : i32
    %dma_start3A_144 = arith.constant 0 : i32
    %dma_start3A_145 = tpu.memref_slice %arg2[%dma_start3A_143, %dma_start3A_144] : memref<131072x128xf32, #tpu.memory_space<hbm>> -> memref<131072x128xf32, #tpu.memory_space<hbm>>
    tpu.enqueue_indirect_dma source(%dma_start3A_145 : memref<131072x128xf32, #tpu.memory_space<hbm>>) target(%arg9 : memref<128x128xf32, #tpu.memory_space<vmem>>) offsets(%dma_start3A_142 : memref<128xi32, #tpu.memory_space<vmem>>) semaphore(%arg16 : memref<!tpu.dma_semaphore, #tpu.memory_space<semaphore_mem>>)
    %dma_wait3A_146 = arith.constant 4 : i32
    %dma_wait3A_147 = arith.constant 0 : i32
    %dma_wait3A_148 = tpu.memref_slice %arg5[%dma_wait3A_146, %dma_wait3A_147] : memref<32x128xi32, #tpu.memory_space<vmem>> -> memref<1x128xi32, #tpu.memory_space<vmem>>
    %dma_wait3A_149 = tpu.memref_squeeze %dma_wait3A_148 : memref<1x128xi32, #tpu.memory_space<vmem>> -> memref<128xi32, #tpu.memory_space<vmem>>
    %dma_wait3A_150 = arith.constant 0 : i32
    %dma_wait3A_151 = arith.constant 0 : i32
    %dma_wait3A_152 = tpu.memref_slice %arg2[%dma_wait3A_150, %dma_wait3A_151] : memref<131072x128xf32, #tpu.memory_space<hbm>> -> memref<131072x128xf32, #tpu.memory_space<hbm>>
    tpu.wait_indirect_dma semaphore(%arg17 : memref<!tpu.dma_semaphore, #tpu.memory_space<semaphore_mem>>) src(%dma_wait3A_152 : memref<131072x128xf32, #tpu.memory_space<hbm>>) dst(%arg10 : memref<128x128xf32, #tpu.memory_space<vmem>>)
    %add3A_153 = arith.constant 512 : i32
    %add3A_154 = arith.addi %mul3A_2, %add3A_153 : i32
    %dma_start3A_155 = arith.constant 0 : i32
    %dma_start3A_156 = tpu.memref_slice %arg4[%add3A_154, %dma_start3A_155] : memref<131072x128xf32, #tpu.memory_space<hbm>> -> memref<128x128xf32, #tpu.memory_space<hbm>>
    %dma_start3A_157 = arith.constant 0 : i32
    %dma_start3A_158 = tpu.memref_slice %arg4[%add3A_154, %dma_start3A_157] : memref<131072x128xf32, #tpu.memory_space<hbm>> -> memref<128x128xf32, #tpu.memory_space<hbm>>
    tpu.enqueue_dma source(%arg10 : memref<128x128xf32, #tpu.memory_space<vmem>>) target(%dma_start3A_158 : memref<128x128xf32, #tpu.memory_space<hbm>>) target_semaphore(%arg24 : memref<!tpu.dma_semaphore, #tpu.memory_space<semaphore_mem>>)
    %dma_wait3A_159 = arith.constant 0 : i32
    %dma_wait3A_160 = tpu.memref_slice %arg4[%add3A_154, %dma_wait3A_159] : memref<131072x128xf32, #tpu.memory_space<hbm>> -> memref<128x128xf32, #tpu.memory_space<hbm>>
    %dma_wait3A_161 = arith.constant 0 : i32
    %dma_wait3A_162 = tpu.memref_slice %arg4[%add3A_154, %dma_wait3A_161] : memref<131072x128xf32, #tpu.memory_space<hbm>> -> memref<128x128xf32, #tpu.memory_space<hbm>>
    tpu.wait_dma2 semaphore(%arg24 : memref<!tpu.dma_semaphore, #tpu.memory_space<semaphore_mem>>) src(%arg10 : memref<128x128xf32, #tpu.memory_space<vmem>>) dst(%dma_wait3A_162 : memref<128x128xf32, #tpu.memory_space<hbm>>)
    %dma_start3A_163 = arith.constant 11 : i32
    %dma_start3A_164 = arith.constant 0 : i32
    %dma_start3A_165 = tpu.memref_slice %arg5[%dma_start3A_163, %dma_start3A_164] : memref<32x128xi32, #tpu.memory_space<vmem>> -> memref<1x128xi32, #tpu.memory_space<vmem>>
    %dma_start3A_166 = tpu.memref_squeeze %dma_start3A_165 : memref<1x128xi32, #tpu.memory_space<vmem>> -> memref<128xi32, #tpu.memory_space<vmem>>
    %dma_start3A_167 = arith.constant 0 : i32
    %dma_start3A_168 = arith.constant 0 : i32
    %dma_start3A_169 = tpu.memref_slice %arg2[%dma_start3A_167, %dma_start3A_168] : memref<131072x128xf32, #tpu.memory_space<hbm>> -> memref<131072x128xf32, #tpu.memory_space<hbm>>
    tpu.enqueue_indirect_dma source(%dma_start3A_169 : memref<131072x128xf32, #tpu.memory_space<hbm>>) target(%arg10 : memref<128x128xf32, #tpu.memory_space<vmem>>) offsets(%dma_start3A_166 : memref<128xi32, #tpu.memory_space<vmem>>) semaphore(%arg17 : memref<!tpu.dma_semaphore, #tpu.memory_space<semaphore_mem>>)
    %dma_wait3A_170 = arith.constant 5 : i32
    %dma_wait3A_171 = arith.constant 0 : i32
    %dma_wait3A_172 = tpu.memref_slice %arg5[%dma_wait3A_170, %dma_wait3A_171] : memref<32x128xi32, #tpu.memory_space<vmem>> -> memref<1x128xi32, #tpu.memory_space<vmem>>
    %dma_wait3A_173 = tpu.memref_squeeze %dma_wait3A_172 : memref<1x128xi32, #tpu.memory_space<vmem>> -> memref<128xi32, #tpu.memory_space<vmem>>
    %dma_wait3A_174 = arith.constant 0 : i32
    %dma_wait3A_175 = arith.constant 0 : i32
    %dma_wait3A_176 = tpu.memref_slice %arg2[%dma_wait3A_174, %dma_wait3A_175] : memref<131072x128xf32, #tpu.memory_space<hbm>> -> memref<131072x128xf32, #tpu.memory_space<hbm>>
    tpu.wait_indirect_dma semaphore(%arg18 : memref<!tpu.dma_semaphore, #tpu.memory_space<semaphore_mem>>) src(%dma_wait3A_176 : memref<131072x128xf32, #tpu.memory_space<hbm>>) dst(%arg11 : memref<128x128xf32, #tpu.memory_space<vmem>>)
    %add3A_177 = arith.constant 640 : i32
    %add3A_178 = arith.addi %mul3A_2, %add3A_177 : i32
    %dma_start3A_179 = arith.constant 0 : i32
    %dma_start3A_180 = tpu.memref_slice %arg4[%add3A_178, %dma_start3A_179] : memref<131072x128xf32, #tpu.memory_space<hbm>> -> memref<128x128xf32, #tpu.memory_space<hbm>>
    %dma_start3A_181 = arith.constant 0 : i32
    %dma_start3A_182 = tpu.memref_slice %arg4[%add3A_178, %dma_start3A_181] : memref<131072x128xf32, #tpu.memory_space<hbm>> -> memref<128x128xf32, #tpu.memory_space<hbm>>
    tpu.enqueue_dma source(%arg11 : memref<128x128xf32, #tpu.memory_space<vmem>>) target(%dma_start3A_182 : memref<128x128xf32, #tpu.memory_space<hbm>>) target_semaphore(%arg25 : memref<!tpu.dma_semaphore, #tpu.memory_space<semaphore_mem>>)
    %dma_wait3A_183 = arith.constant 0 : i32
    %dma_wait3A_184 = tpu.memref_slice %arg4[%add3A_178, %dma_wait3A_183] : memref<131072x128xf32, #tpu.memory_space<hbm>> -> memref<128x128xf32, #tpu.memory_space<hbm>>
    %dma_wait3A_185 = arith.constant 0 : i32
    %dma_wait3A_186 = tpu.memref_slice %arg4[%add3A_178, %dma_wait3A_185] : memref<131072x128xf32, #tpu.memory_space<hbm>> -> memref<128x128xf32, #tpu.memory_space<hbm>>
    tpu.wait_dma2 semaphore(%arg25 : memref<!tpu.dma_semaphore, #tpu.memory_space<semaphore_mem>>) src(%arg11 : memref<128x128xf32, #tpu.memory_space<vmem>>) dst(%dma_wait3A_186 : memref<128x128xf32, #tpu.memory_space<hbm>>)
    %dma_start3A_187 = arith.constant 12 : i32
    %dma_start3A_188 = arith.constant 0 : i32
    %dma_start3A_189 = tpu.memref_slice %arg5[%dma_start3A_187, %dma_start3A_188] : memref<32x128xi32, #tpu.memory_space<vmem>> -> memref<1x128xi32, #tpu.memory_space<vmem>>
    %dma_start3A_190 = tpu.memref_squeeze %dma_start3A_189 : memref<1x128xi32, #tpu.memory_space<vmem>> -> memref<128xi32, #tpu.memory_space<vmem>>
    %dma_start3A_191 = arith.constant 0 : i32
    %dma_start3A_192 = arith.constant 0 : i32
    %dma_start3A_193 = tpu.memref_slice %arg2[%dma_start3A_191, %dma_start3A_192] : memref<131072x128xf32, #tpu.memory_space<hbm>> -> memref<131072x128xf32, #tpu.memory_space<hbm>>
    tpu.enqueue_indirect_dma source(%dma_start3A_193 : memref<131072x128xf32, #tpu.memory_space<hbm>>) target(%arg11 : memref<128x128xf32, #tpu.memory_space<vmem>>) offsets(%dma_start3A_190 : memref<128xi32, #tpu.memory_space<vmem>>) semaphore(%arg18 : memref<!tpu.dma_semaphore, #tpu.memory_space<semaphore_mem>>)
    %dma_wait3A_194 = arith.constant 6 : i32
    %dma_wait3A_195 = arith.constant 0 : i32
    %dma_wait3A_196 = tpu.memref_slice %arg5[%dma_wait3A_194, %dma_wait3A_195] : memref<32x128xi32, #tpu.memory_space<vmem>> -> memref<1x128xi32, #tpu.memory_space<vmem>>
    %dma_wait3A_197 = tpu.memref_squeeze %dma_wait3A_196 : memref<1x128xi32, #tpu.memory_space<vmem>> -> memref<128xi32, #tpu.memory_space<vmem>>
    %dma_wait3A_198 = arith.constant 0 : i32
    %dma_wait3A_199 = arith.constant 0 : i32
    %dma_wait3A_200 = tpu.memref_slice %arg2[%dma_wait3A_198, %dma_wait3A_199] : memref<131072x128xf32, #tpu.memory_space<hbm>> -> memref<131072x128xf32, #tpu.memory_space<hbm>>
    tpu.wait_indirect_dma semaphore(%arg19 : memref<!tpu.dma_semaphore, #tpu.memory_space<semaphore_mem>>) src(%dma_wait3A_200 : memref<131072x128xf32, #tpu.memory_space<hbm>>) dst(%arg12 : memref<128x128xf32, #tpu.memory_space<vmem>>)
    %add3A_201 = arith.constant 768 : i32
    %add3A_202 = arith.addi %mul3A_2, %add3A_201 : i32
    %dma_start3A_203 = arith.constant 0 : i32
    %dma_start3A_204 = tpu.memref_slice %arg4[%add3A_202, %dma_start3A_203] : memref<131072x128xf32, #tpu.memory_space<hbm>> -> memref<128x128xf32, #tpu.memory_space<hbm>>
    %dma_start3A_205 = arith.constant 0 : i32
    %dma_start3A_206 = tpu.memref_slice %arg4[%add3A_202, %dma_start3A_205] : memref<131072x128xf32, #tpu.memory_space<hbm>> -> memref<128x128xf32, #tpu.memory_space<hbm>>
    tpu.enqueue_dma source(%arg12 : memref<128x128xf32, #tpu.memory_space<vmem>>) target(%dma_start3A_206 : memref<128x128xf32, #tpu.memory_space<hbm>>) target_semaphore(%arg26 : memref<!tpu.dma_semaphore, #tpu.memory_space<semaphore_mem>>)
    %dma_wait3A_207 = arith.constant 0 : i32
    %dma_wait3A_208 = tpu.memref_slice %arg4[%add3A_202, %dma_wait3A_207] : memref<131072x128xf32, #tpu.memory_space<hbm>> -> memref<128x128xf32, #tpu.memory_space<hbm>>
    %dma_wait3A_209 = arith.constant 0 : i32
    %dma_wait3A_210 = tpu.memref_slice %arg4[%add3A_202, %dma_wait3A_209] : memref<131072x128xf32, #tpu.memory_space<hbm>> -> memref<128x128xf32, #tpu.memory_space<hbm>>
    tpu.wait_dma2 semaphore(%arg26 : memref<!tpu.dma_semaphore, #tpu.memory_space<semaphore_mem>>) src(%arg12 : memref<128x128xf32, #tpu.memory_space<vmem>>) dst(%dma_wait3A_210 : memref<128x128xf32, #tpu.memory_space<hbm>>)
    %dma_start3A_211 = arith.constant 13 : i32
    %dma_start3A_212 = arith.constant 0 : i32
    %dma_start3A_213 = tpu.memref_slice %arg5[%dma_start3A_211, %dma_start3A_212] : memref<32x128xi32, #tpu.memory_space<vmem>> -> memref<1x128xi32, #tpu.memory_space<vmem>>
    %dma_start3A_214 = tpu.memref_squeeze %dma_start3A_213 : memref<1x128xi32, #tpu.memory_space<vmem>> -> memref<128xi32, #tpu.memory_space<vmem>>
    %dma_start3A_215 = arith.constant 0 : i32
    %dma_start3A_216 = arith.constant 0 : i32
    %dma_start3A_217 = tpu.memref_slice %arg2[%dma_start3A_215, %dma_start3A_216] : memref<131072x128xf32, #tpu.memory_space<hbm>> -> memref<131072x128xf32, #tpu.memory_space<hbm>>
    tpu.enqueue_indirect_dma source(%dma_start3A_217 : memref<131072x128xf32, #tpu.memory_space<hbm>>) target(%arg12 : memref<128x128xf32, #tpu.memory_space<vmem>>) offsets(%dma_start3A_214 : memref<128xi32, #tpu.memory_space<vmem>>) semaphore(%arg19 : memref<!tpu.dma_semaphore, #tpu.memory_space<semaphore_mem>>)
    %dma_wait3A_218 = arith.constant 7 : i32
    %dma_wait3A_219 = arith.constant 0 : i32
    %dma_wait3A_220 = tpu.memref_slice %arg5[%dma_wait3A_218, %dma_wait3A_219] : memref<32x128xi32, #tpu.memory_space<vmem>> -> memref<1x128xi32, #tpu.memory_space<vmem>>
    %dma_wait3A_221 = tpu.memref_squeeze %dma_wait3A_220 : memref<1x128xi32, #tpu.memory_space<vmem>> -> memref<128xi32, #tpu.memory_space<vmem>>
    %dma_wait3A_222 = arith.constant 0 : i32
    %dma_wait3A_223 = arith.constant 0 : i32
    %dma_wait3A_224 = tpu.memref_slice %arg2[%dma_wait3A_222, %dma_wait3A_223] : memref<131072x128xf32, #tpu.memory_space<hbm>> -> memref<131072x128xf32, #tpu.memory_space<hbm>>
    tpu.wait_indirect_dma semaphore(%arg13 : memref<!tpu.dma_semaphore, #tpu.memory_space<semaphore_mem>>) src(%dma_wait3A_224 : memref<131072x128xf32, #tpu.memory_space<hbm>>) dst(%arg6 : memref<128x128xf32, #tpu.memory_space<vmem>>)
    %add3A_225 = arith.constant 896 : i32
    %add3A_226 = arith.addi %mul3A_2, %add3A_225 : i32
    %dma_start3A_227 = arith.constant 0 : i32
    %dma_start3A_228 = tpu.memref_slice %arg4[%add3A_226, %dma_start3A_227] : memref<131072x128xf32, #tpu.memory_space<hbm>> -> memref<128x128xf32, #tpu.memory_space<hbm>>
    %dma_start3A_229 = arith.constant 0 : i32
    %dma_start3A_230 = tpu.memref_slice %arg4[%add3A_226, %dma_start3A_229] : memref<131072x128xf32, #tpu.memory_space<hbm>> -> memref<128x128xf32, #tpu.memory_space<hbm>>
    tpu.enqueue_dma source(%arg6 : memref<128x128xf32, #tpu.memory_space<vmem>>) target(%dma_start3A_230 : memref<128x128xf32, #tpu.memory_space<hbm>>) target_semaphore(%arg20 : memref<!tpu.dma_semaphore, #tpu.memory_space<semaphore_mem>>)
    %dma_wait3A_231 = arith.constant 0 : i32
    %dma_wait3A_232 = tpu.memref_slice %arg4[%add3A_226, %dma_wait3A_231] : memref<131072x128xf32, #tpu.memory_space<hbm>> -> memref<128x128xf32, #tpu.memory_space<hbm>>
    %dma_wait3A_233 = arith.constant 0 : i32
    %dma_wait3A_234 = tpu.memref_slice %arg4[%add3A_226, %dma_wait3A_233] : memref<131072x128xf32, #tpu.memory_space<hbm>> -> memref<128x128xf32, #tpu.memory_space<hbm>>
    tpu.wait_dma2 semaphore(%arg20 : memref<!tpu.dma_semaphore, #tpu.memory_space<semaphore_mem>>) src(%arg6 : memref<128x128xf32, #tpu.memory_space<vmem>>) dst(%dma_wait3A_234 : memref<128x128xf32, #tpu.memory_space<hbm>>)
    %dma_start3A_235 = arith.constant 14 : i32
    %dma_start3A_236 = arith.constant 0 : i32
    %dma_start3A_237 = tpu.memref_slice %arg5[%dma_start3A_235, %dma_start3A_236] : memref<32x128xi32, #tpu.memory_space<vmem>> -> memref<1x128xi32, #tpu.memory_space<vmem>>
    %dma_start3A_238 = tpu.memref_squeeze %dma_start3A_237 : memref<1x128xi32, #tpu.memory_space<vmem>> -> memref<128xi32, #tpu.memory_space<vmem>>
    %dma_start3A_239 = arith.constant 0 : i32
    %dma_start3A_240 = arith.constant 0 : i32
    %dma_start3A_241 = tpu.memref_slice %arg2[%dma_start3A_239, %dma_start3A_240] : memref<131072x128xf32, #tpu.memory_space<hbm>> -> memref<131072x128xf32, #tpu.memory_space<hbm>>
    tpu.enqueue_indirect_dma source(%dma_start3A_241 : memref<131072x128xf32, #tpu.memory_space<hbm>>) target(%arg6 : memref<128x128xf32, #tpu.memory_space<vmem>>) offsets(%dma_start3A_238 : memref<128xi32, #tpu.memory_space<vmem>>) semaphore(%arg13 : memref<!tpu.dma_semaphore, #tpu.memory_space<semaphore_mem>>)
    %dma_wait3A_242 = arith.constant 8 : i32
    %dma_wait3A_243 = arith.constant 0 : i32
    %dma_wait3A_244 = tpu.memref_slice %arg5[%dma_wait3A_242, %dma_wait3A_243] : memref<32x128xi32, #tpu.memory_space<vmem>> -> memref<1x128xi32, #tpu.memory_space<vmem>>
    %dma_wait3A_245 = tpu.memref_squeeze %dma_wait3A_244 : memref<1x128xi32, #tpu.memory_space<vmem>> -> memref<128xi32, #tpu.memory_space<vmem>>
    %dma_wait3A_246 = arith.constant 0 : i32
    %dma_wait3A_247 = arith.constant 0 : i32
    %dma_wait3A_248 = tpu.memref_slice %arg2[%dma_wait3A_246, %dma_wait3A_247] : memref<131072x128xf32, #tpu.memory_space<hbm>> -> memref<131072x128xf32, #tpu.memory_space<hbm>>
    tpu.wait_indirect_dma semaphore(%arg14 : memref<!tpu.dma_semaphore, #tpu.memory_space<semaphore_mem>>) src(%dma_wait3A_248 : memref<131072x128xf32, #tpu.memory_space<hbm>>) dst(%arg7 : memref<128x128xf32, #tpu.memory_space<vmem>>)
    %add3A_249 = arith.constant 1024 : i32
    %add3A_250 = arith.addi %mul3A_2, %add3A_249 : i32
    %dma_start3A_251 = arith.constant 0 : i32
    %dma_start3A_252 = tpu.memref_slice %arg4[%add3A_250, %dma_start3A_251] : memref<131072x128xf32, #tpu.memory_space<hbm>> -> memref<128x128xf32, #tpu.memory_space<hbm>>
    %dma_start3A_253 = arith.constant 0 : i32
    %dma_start3A_254 = tpu.memref_slice %arg4[%add3A_250, %dma_start3A_253] : memref<131072x128xf32, #tpu.memory_space<hbm>> -> memref<128x128xf32, #tpu.memory_space<hbm>>
    tpu.enqueue_dma source(%arg7 : memref<128x128xf32, #tpu.memory_space<vmem>>) target(%dma_start3A_254 : memref<128x128xf32, #tpu.memory_space<hbm>>) target_semaphore(%arg21 : memref<!tpu.dma_semaphore, #tpu.memory_space<semaphore_mem>>)
    %dma_wait3A_255 = arith.constant 0 : i32
    %dma_wait3A_256 = tpu.memref_slice %arg4[%add3A_250, %dma_wait3A_255] : memref<131072x128xf32, #tpu.memory_space<hbm>> -> memref<128x128xf32, #tpu.memory_space<hbm>>
    %dma_wait3A_257 = arith.constant 0 : i32
    %dma_wait3A_258 = tpu.memref_slice %arg4[%add3A_250, %dma_wait3A_257] : memref<131072x128xf32, #tpu.memory_space<hbm>> -> memref<128x128xf32, #tpu.memory_space<hbm>>
    tpu.wait_dma2 semaphore(%arg21 : memref<!tpu.dma_semaphore, #tpu.memory_space<semaphore_mem>>) src(%arg7 : memref<128x128xf32, #tpu.memory_space<vmem>>) dst(%dma_wait3A_258 : memref<128x128xf32, #tpu.memory_space<hbm>>)
    %dma_start3A_259 = arith.constant 15 : i32
    %dma_start3A_260 = arith.constant 0 : i32
    %dma_start3A_261 = tpu.memref_slice %arg5[%dma_start3A_259, %dma_start3A_260] : memref<32x128xi32, #tpu.memory_space<vmem>> -> memref<1x128xi32, #tpu.memory_space<vmem>>
    %dma_start3A_262 = tpu.memref_squeeze %dma_start3A_261 : memref<1x128xi32, #tpu.memory_space<vmem>> -> memref<128xi32, #tpu.memory_space<vmem>>
    %dma_start3A_263 = arith.constant 0 : i32
    %dma_start3A_264 = arith.constant 0 : i32
    %dma_start3A_265 = tpu.memref_slice %arg2[%dma_start3A_263, %dma_start3A_264] : memref<131072x128xf32, #tpu.memory_space<hbm>> -> memref<131072x128xf32, #tpu.memory_space<hbm>>
    tpu.enqueue_indirect_dma source(%dma_start3A_265 : memref<131072x128xf32, #tpu.memory_space<hbm>>) target(%arg7 : memref<128x128xf32, #tpu.memory_space<vmem>>) offsets(%dma_start3A_262 : memref<128xi32, #tpu.memory_space<vmem>>) semaphore(%arg14 : memref<!tpu.dma_semaphore, #tpu.memory_space<semaphore_mem>>)
    %dma_wait3A_266 = arith.constant 9 : i32
    %dma_wait3A_267 = arith.constant 0 : i32
    %dma_wait3A_268 = tpu.memref_slice %arg5[%dma_wait3A_266, %dma_wait3A_267] : memref<32x128xi32, #tpu.memory_space<vmem>> -> memref<1x128xi32, #tpu.memory_space<vmem>>
    %dma_wait3A_269 = tpu.memref_squeeze %dma_wait3A_268 : memref<1x128xi32, #tpu.memory_space<vmem>> -> memref<128xi32, #tpu.memory_space<vmem>>
    %dma_wait3A_270 = arith.constant 0 : i32
    %dma_wait3A_271 = arith.constant 0 : i32
    %dma_wait3A_272 = tpu.memref_slice %arg2[%dma_wait3A_270, %dma_wait3A_271] : memref<131072x128xf32, #tpu.memory_space<hbm>> -> memref<131072x128xf32, #tpu.memory_space<hbm>>
    tpu.wait_indirect_dma semaphore(%arg15 : memref<!tpu.dma_semaphore, #tpu.memory_space<semaphore_mem>>) src(%dma_wait3A_272 : memref<131072x128xf32, #tpu.memory_space<hbm>>) dst(%arg8 : memref<128x128xf32, #tpu.memory_space<vmem>>)
    %add3A_273 = arith.constant 1152 : i32
    %add3A_274 = arith.addi %mul3A_2, %add3A_273 : i32
    %dma_start3A_275 = arith.constant 0 : i32
    %dma_start3A_276 = tpu.memref_slice %arg4[%add3A_274, %dma_start3A_275] : memref<131072x128xf32, #tpu.memory_space<hbm>> -> memref<128x128xf32, #tpu.memory_space<hbm>>
    %dma_start3A_277 = arith.constant 0 : i32
    %dma_start3A_278 = tpu.memref_slice %arg4[%add3A_274, %dma_start3A_277] : memref<131072x128xf32, #tpu.memory_space<hbm>> -> memref<128x128xf32, #tpu.memory_space<hbm>>
    tpu.enqueue_dma source(%arg8 : memref<128x128xf32, #tpu.memory_space<vmem>>) target(%dma_start3A_278 : memref<128x128xf32, #tpu.memory_space<hbm>>) target_semaphore(%arg22 : memref<!tpu.dma_semaphore, #tpu.memory_space<semaphore_mem>>)
    %dma_wait3A_279 = arith.constant 0 : i32
    %dma_wait3A_280 = tpu.memref_slice %arg4[%add3A_274, %dma_wait3A_279] : memref<131072x128xf32, #tpu.memory_space<hbm>> -> memref<128x128xf32, #tpu.memory_space<hbm>>
    %dma_wait3A_281 = arith.constant 0 : i32
    %dma_wait3A_282 = tpu.memref_slice %arg4[%add3A_274, %dma_wait3A_281] : memref<131072x128xf32, #tpu.memory_space<hbm>> -> memref<128x128xf32, #tpu.memory_space<hbm>>
    tpu.wait_dma2 semaphore(%arg22 : memref<!tpu.dma_semaphore, #tpu.memory_space<semaphore_mem>>) src(%arg8 : memref<128x128xf32, #tpu.memory_space<vmem>>) dst(%dma_wait3A_282 : memref<128x128xf32, #tpu.memory_space<hbm>>)
    %dma_start3A_283 = arith.constant 16 : i32
    %dma_start3A_284 = arith.constant 0 : i32
    %dma_start3A_285 = tpu.memref_slice %arg5[%dma_start3A_283, %dma_start3A_284] : memref<32x128xi32, #tpu.memory_space<vmem>> -> memref<1x128xi32, #tpu.memory_space<vmem>>
    %dma_start3A_286 = tpu.memref_squeeze %dma_start3A_285 : memref<1x128xi32, #tpu.memory_space<vmem>> -> memref<128xi32, #tpu.memory_space<vmem>>
    %dma_start3A_287 = arith.constant 0 : i32
    %dma_start3A_288 = arith.constant 0 : i32
    %dma_start3A_289 = tpu.memref_slice %arg2[%dma_start3A_287, %dma_start3A_288] : memref<131072x128xf32, #tpu.memory_space<hbm>> -> memref<131072x128xf32, #tpu.memory_space<hbm>>
    tpu.enqueue_indirect_dma source(%dma_start3A_289 : memref<131072x128xf32, #tpu.memory_space<hbm>>) target(%arg8 : memref<128x128xf32, #tpu.memory_space<vmem>>) offsets(%dma_start3A_286 : memref<128xi32, #tpu.memory_space<vmem>>) semaphore(%arg15 : memref<!tpu.dma_semaphore, #tpu.memory_space<semaphore_mem>>)
    %dma_wait3A_290 = arith.constant 10 : i32
    %dma_wait3A_291 = arith.constant 0 : i32
    %dma_wait3A_292 = tpu.memref_slice %arg5[%dma_wait3A_290, %dma_wait3A_291] : memref<32x128xi32, #tpu.memory_space<vmem>> -> memref<1x128xi32, #tpu.memory_space<vmem>>
    %dma_wait3A_293 = tpu.memref_squeeze %dma_wait3A_292 : memref<1x128xi32, #tpu.memory_space<vmem>> -> memref<128xi32, #tpu.memory_space<vmem>>
    %dma_wait3A_294 = arith.constant 0 : i32
    %dma_wait3A_295 = arith.constant 0 : i32
    %dma_wait3A_296 = tpu.memref_slice %arg2[%dma_wait3A_294, %dma_wait3A_295] : memref<131072x128xf32, #tpu.memory_space<hbm>> -> memref<131072x128xf32, #tpu.memory_space<hbm>>
    tpu.wait_indirect_dma semaphore(%arg16 : memref<!tpu.dma_semaphore, #tpu.memory_space<semaphore_mem>>) src(%dma_wait3A_296 : memref<131072x128xf32, #tpu.memory_space<hbm>>) dst(%arg9 : memref<128x128xf32, #tpu.memory_space<vmem>>)
    %add3A_297 = arith.constant 1280 : i32
    %add3A_298 = arith.addi %mul3A_2, %add3A_297 : i32
    %dma_start3A_299 = arith.constant 0 : i32
    %dma_start3A_300 = tpu.memref_slice %arg4[%add3A_298, %dma_start3A_299] : memref<131072x128xf32, #tpu.memory_space<hbm>> -> memref<128x128xf32, #tpu.memory_space<hbm>>
    %dma_start3A_301 = arith.constant 0 : i32
    %dma_start3A_302 = tpu.memref_slice %arg4[%add3A_298, %dma_start3A_301] : memref<131072x128xf32, #tpu.memory_space<hbm>> -> memref<128x128xf32, #tpu.memory_space<hbm>>
    tpu.enqueue_dma source(%arg9 : memref<128x128xf32, #tpu.memory_space<vmem>>) target(%dma_start3A_302 : memref<128x128xf32, #tpu.memory_space<hbm>>) target_semaphore(%arg23 : memref<!tpu.dma_semaphore, #tpu.memory_space<semaphore_mem>>)
    %dma_wait3A_303 = arith.constant 0 : i32
    %dma_wait3A_304 = tpu.memref_slice %arg4[%add3A_298, %dma_wait3A_303] : memref<131072x128xf32, #tpu.memory_space<hbm>> -> memref<128x128xf32, #tpu.memory_space<hbm>>
    %dma_wait3A_305 = arith.constant 0 : i32
    %dma_wait3A_306 = tpu.memref_slice %arg4[%add3A_298, %dma_wait3A_305] : memref<131072x128xf32, #tpu.memory_space<hbm>> -> memref<128x128xf32, #tpu.memory_space<hbm>>
    tpu.wait_dma2 semaphore(%arg23 : memref<!tpu.dma_semaphore, #tpu.memory_space<semaphore_mem>>) src(%arg9 : memref<128x128xf32, #tpu.memory_space<vmem>>) dst(%dma_wait3A_306 : memref<128x128xf32, #tpu.memory_space<hbm>>)
    %dma_start3A_307 = arith.constant 17 : i32
    %dma_start3A_308 = arith.constant 0 : i32
    %dma_start3A_309 = tpu.memref_slice %arg5[%dma_start3A_307, %dma_start3A_308] : memref<32x128xi32, #tpu.memory_space<vmem>> -> memref<1x128xi32, #tpu.memory_space<vmem>>
    %dma_start3A_310 = tpu.memref_squeeze %dma_start3A_309 : memref<1x128xi32, #tpu.memory_space<vmem>> -> memref<128xi32, #tpu.memory_space<vmem>>
    %dma_start3A_311 = arith.constant 0 : i32
    %dma_start3A_312 = arith.constant 0 : i32
    %dma_start3A_313 = tpu.memref_slice %arg2[%dma_start3A_311, %dma_start3A_312] : memref<131072x128xf32, #tpu.memory_space<hbm>> -> memref<131072x128xf32, #tpu.memory_space<hbm>>
    tpu.enqueue_indirect_dma source(%dma_start3A_313 : memref<131072x128xf32, #tpu.memory_space<hbm>>) target(%arg9 : memref<128x128xf32, #tpu.memory_space<vmem>>) offsets(%dma_start3A_310 : memref<128xi32, #tpu.memory_space<vmem>>) semaphore(%arg16 : memref<!tpu.dma_semaphore, #tpu.memory_space<semaphore_mem>>)
    %dma_wait3A_314 = arith.constant 11 : i32
    %dma_wait3A_315 = arith.constant 0 : i32
    %dma_wait3A_316 = tpu.memref_slice %arg5[%dma_wait3A_314, %dma_wait3A_315] : memref<32x128xi32, #tpu.memory_space<vmem>> -> memref<1x128xi32, #tpu.memory_space<vmem>>
    %dma_wait3A_317 = tpu.memref_squeeze %dma_wait3A_316 : memref<1x128xi32, #tpu.memory_space<vmem>> -> memref<128xi32, #tpu.memory_space<vmem>>
    %dma_wait3A_318 = arith.constant 0 : i32
    %dma_wait3A_319 = arith.constant 0 : i32
    %dma_wait3A_320 = tpu.memref_slice %arg2[%dma_wait3A_318, %dma_wait3A_319] : memref<131072x128xf32, #tpu.memory_space<hbm>> -> memref<131072x128xf32, #tpu.memory_space<hbm>>
    tpu.wait_indirect_dma semaphore(%arg17 : memref<!tpu.dma_semaphore, #tpu.memory_space<semaphore_mem>>) src(%dma_wait3A_320 : memref<131072x128xf32, #tpu.memory_space<hbm>>) dst(%arg10 : memref<128x128xf32, #tpu.memory_space<vmem>>)
    %add3A_321 = arith.constant 1408 : i32
    %add3A_322 = arith.addi %mul3A_2, %add3A_321 : i32
    %dma_start3A_323 = arith.constant 0 : i32
    %dma_start3A_324 = tpu.memref_slice %arg4[%add3A_322, %dma_start3A_323] : memref<131072x128xf32, #tpu.memory_space<hbm>> -> memref<128x128xf32, #tpu.memory_space<hbm>>
    %dma_start3A_325 = arith.constant 0 : i32
    %dma_start3A_326 = tpu.memref_slice %arg4[%add3A_322, %dma_start3A_325] : memref<131072x128xf32, #tpu.memory_space<hbm>> -> memref<128x128xf32, #tpu.memory_space<hbm>>
    tpu.enqueue_dma source(%arg10 : memref<128x128xf32, #tpu.memory_space<vmem>>) target(%dma_start3A_326 : memref<128x128xf32, #tpu.memory_space<hbm>>) target_semaphore(%arg24 : memref<!tpu.dma_semaphore, #tpu.memory_space<semaphore_mem>>)
    %dma_wait3A_327 = arith.constant 0 : i32
    %dma_wait3A_328 = tpu.memref_slice %arg4[%add3A_322, %dma_wait3A_327] : memref<131072x128xf32, #tpu.memory_space<hbm>> -> memref<128x128xf32, #tpu.memory_space<hbm>>
    %dma_wait3A_329 = arith.constant 0 : i32
    %dma_wait3A_330 = tpu.memref_slice %arg4[%add3A_322, %dma_wait3A_329] : memref<131072x128xf32, #tpu.memory_space<hbm>> -> memref<128x128xf32, #tpu.memory_space<hbm>>
    tpu.wait_dma2 semaphore(%arg24 : memref<!tpu.dma_semaphore, #tpu.memory_space<semaphore_mem>>) src(%arg10 : memref<128x128xf32, #tpu.memory_space<vmem>>) dst(%dma_wait3A_330 : memref<128x128xf32, #tpu.memory_space<hbm>>)
    %dma_start3A_331 = arith.constant 18 : i32
    %dma_start3A_332 = arith.constant 0 : i32
    %dma_start3A_333 = tpu.memref_slice %arg5[%dma_start3A_331, %dma_start3A_332] : memref<32x128xi32, #tpu.memory_space<vmem>> -> memref<1x128xi32, #tpu.memory_space<vmem>>
    %dma_start3A_334 = tpu.memref_squeeze %dma_start3A_333 : memref<1x128xi32, #tpu.memory_space<vmem>> -> memref<128xi32, #tpu.memory_space<vmem>>
    %dma_start3A_335 = arith.constant 0 : i32
    %dma_start3A_336 = arith.constant 0 : i32
    %dma_start3A_337 = tpu.memref_slice %arg2[%dma_start3A_335, %dma_start3A_336] : memref<131072x128xf32, #tpu.memory_space<hbm>> -> memref<131072x128xf32, #tpu.memory_space<hbm>>
    tpu.enqueue_indirect_dma source(%dma_start3A_337 : memref<131072x128xf32, #tpu.memory_space<hbm>>) target(%arg10 : memref<128x128xf32, #tpu.memory_space<vmem>>) offsets(%dma_start3A_334 : memref<128xi32, #tpu.memory_space<vmem>>) semaphore(%arg17 : memref<!tpu.dma_semaphore, #tpu.memory_space<semaphore_mem>>)
    %dma_wait3A_338 = arith.constant 12 : i32
    %dma_wait3A_339 = arith.constant 0 : i32
    %dma_wait3A_340 = tpu.memref_slice %arg5[%dma_wait3A_338, %dma_wait3A_339] : memref<32x128xi32, #tpu.memory_space<vmem>> -> memref<1x128xi32, #tpu.memory_space<vmem>>
    %dma_wait3A_341 = tpu.memref_squeeze %dma_wait3A_340 : memref<1x128xi32, #tpu.memory_space<vmem>> -> memref<128xi32, #tpu.memory_space<vmem>>
    %dma_wait3A_342 = arith.constant 0 : i32
    %dma_wait3A_343 = arith.constant 0 : i32
    %dma_wait3A_344 = tpu.memref_slice %arg2[%dma_wait3A_342, %dma_wait3A_343] : memref<131072x128xf32, #tpu.memory_space<hbm>> -> memref<131072x128xf32, #tpu.memory_space<hbm>>
    tpu.wait_indirect_dma semaphore(%arg18 : memref<!tpu.dma_semaphore, #tpu.memory_space<semaphore_mem>>) src(%dma_wait3A_344 : memref<131072x128xf32, #tpu.memory_space<hbm>>) dst(%arg11 : memref<128x128xf32, #tpu.memory_space<vmem>>)
    %add3A_345 = arith.constant 1536 : i32
    %add3A_346 = arith.addi %mul3A_2, %add3A_345 : i32
    %dma_start3A_347 = arith.constant 0 : i32
    %dma_start3A_348 = tpu.memref_slice %arg4[%add3A_346, %dma_start3A_347] : memref<131072x128xf32, #tpu.memory_space<hbm>> -> memref<128x128xf32, #tpu.memory_space<hbm>>
    %dma_start3A_349 = arith.constant 0 : i32
    %dma_start3A_350 = tpu.memref_slice %arg4[%add3A_346, %dma_start3A_349] : memref<131072x128xf32, #tpu.memory_space<hbm>> -> memref<128x128xf32, #tpu.memory_space<hbm>>
    tpu.enqueue_dma source(%arg11 : memref<128x128xf32, #tpu.memory_space<vmem>>) target(%dma_start3A_350 : memref<128x128xf32, #tpu.memory_space<hbm>>) target_semaphore(%arg25 : memref<!tpu.dma_semaphore, #tpu.memory_space<semaphore_mem>>)
    %dma_wait3A_351 = arith.constant 0 : i32
    %dma_wait3A_352 = tpu.memref_slice %arg4[%add3A_346, %dma_wait3A_351] : memref<131072x128xf32, #tpu.memory_space<hbm>> -> memref<128x128xf32, #tpu.memory_space<hbm>>
    %dma_wait3A_353 = arith.constant 0 : i32
    %dma_wait3A_354 = tpu.memref_slice %arg4[%add3A_346, %dma_wait3A_353] : memref<131072x128xf32, #tpu.memory_space<hbm>> -> memref<128x128xf32, #tpu.memory_space<hbm>>
    tpu.wait_dma2 semaphore(%arg25 : memref<!tpu.dma_semaphore, #tpu.memory_space<semaphore_mem>>) src(%arg11 : memref<128x128xf32, #tpu.memory_space<vmem>>) dst(%dma_wait3A_354 : memref<128x128xf32, #tpu.memory_space<hbm>>)
    %dma_start3A_355 = arith.constant 19 : i32
    %dma_start3A_356 = arith.constant 0 : i32
    %dma_start3A_357 = tpu.memref_slice %arg5[%dma_start3A_355, %dma_start3A_356] : memref<32x128xi32, #tpu.memory_space<vmem>> -> memref<1x128xi32, #tpu.memory_space<vmem>>
    %dma_start3A_358 = tpu.memref_squeeze %dma_start3A_357 : memref<1x128xi32, #tpu.memory_space<vmem>> -> memref<128xi32, #tpu.memory_space<vmem>>
    %dma_start3A_359 = arith.constant 0 : i32
    %dma_start3A_360 = arith.constant 0 : i32
    %dma_start3A_361 = tpu.memref_slice %arg2[%dma_start3A_359, %dma_start3A_360] : memref<131072x128xf32, #tpu.memory_space<hbm>> -> memref<131072x128xf32, #tpu.memory_space<hbm>>
    tpu.enqueue_indirect_dma source(%dma_start3A_361 : memref<131072x128xf32, #tpu.memory_space<hbm>>) target(%arg11 : memref<128x128xf32, #tpu.memory_space<vmem>>) offsets(%dma_start3A_358 : memref<128xi32, #tpu.memory_space<vmem>>) semaphore(%arg18 : memref<!tpu.dma_semaphore, #tpu.memory_space<semaphore_mem>>)
    %dma_wait3A_362 = arith.constant 13 : i32
    %dma_wait3A_363 = arith.constant 0 : i32
    %dma_wait3A_364 = tpu.memref_slice %arg5[%dma_wait3A_362, %dma_wait3A_363] : memref<32x128xi32, #tpu.memory_space<vmem>> -> memref<1x128xi32, #tpu.memory_space<vmem>>
    %dma_wait3A_365 = tpu.memref_squeeze %dma_wait3A_364 : memref<1x128xi32, #tpu.memory_space<vmem>> -> memref<128xi32, #tpu.memory_space<vmem>>
    %dma_wait3A_366 = arith.constant 0 : i32
    %dma_wait3A_367 = arith.constant 0 : i32
    %dma_wait3A_368 = tpu.memref_slice %arg2[%dma_wait3A_366, %dma_wait3A_367] : memref<131072x128xf32, #tpu.memory_space<hbm>> -> memref<131072x128xf32, #tpu.memory_space<hbm>>
    tpu.wait_indirect_dma semaphore(%arg19 : memref<!tpu.dma_semaphore, #tpu.memory_space<semaphore_mem>>) src(%dma_wait3A_368 : memref<131072x128xf32, #tpu.memory_space<hbm>>) dst(%arg12 : memref<128x128xf32, #tpu.memory_space<vmem>>)
    %add3A_369 = arith.constant 1664 : i32
    %add3A_370 = arith.addi %mul3A_2, %add3A_369 : i32
    %dma_start3A_371 = arith.constant 0 : i32
    %dma_start3A_372 = tpu.memref_slice %arg4[%add3A_370, %dma_start3A_371] : memref<131072x128xf32, #tpu.memory_space<hbm>> -> memref<128x128xf32, #tpu.memory_space<hbm>>
    %dma_start3A_373 = arith.constant 0 : i32
    %dma_start3A_374 = tpu.memref_slice %arg4[%add3A_370, %dma_start3A_373] : memref<131072x128xf32, #tpu.memory_space<hbm>> -> memref<128x128xf32, #tpu.memory_space<hbm>>
    tpu.enqueue_dma source(%arg12 : memref<128x128xf32, #tpu.memory_space<vmem>>) target(%dma_start3A_374 : memref<128x128xf32, #tpu.memory_space<hbm>>) target_semaphore(%arg26 : memref<!tpu.dma_semaphore, #tpu.memory_space<semaphore_mem>>)
    %dma_wait3A_375 = arith.constant 0 : i32
    %dma_wait3A_376 = tpu.memref_slice %arg4[%add3A_370, %dma_wait3A_375] : memref<131072x128xf32, #tpu.memory_space<hbm>> -> memref<128x128xf32, #tpu.memory_space<hbm>>
    %dma_wait3A_377 = arith.constant 0 : i32
    %dma_wait3A_378 = tpu.memref_slice %arg4[%add3A_370, %dma_wait3A_377] : memref<131072x128xf32, #tpu.memory_space<hbm>> -> memref<128x128xf32, #tpu.memory_space<hbm>>
    tpu.wait_dma2 semaphore(%arg26 : memref<!tpu.dma_semaphore, #tpu.memory_space<semaphore_mem>>) src(%arg12 : memref<128x128xf32, #tpu.memory_space<vmem>>) dst(%dma_wait3A_378 : memref<128x128xf32, #tpu.memory_space<hbm>>)
    %dma_start3A_379 = arith.constant 20 : i32
    %dma_start3A_380 = arith.constant 0 : i32
    %dma_start3A_381 = tpu.memref_slice %arg5[%dma_start3A_379, %dma_start3A_380] : memref<32x128xi32, #tpu.memory_space<vmem>> -> memref<1x128xi32, #tpu.memory_space<vmem>>
    %dma_start3A_382 = tpu.memref_squeeze %dma_start3A_381 : memref<1x128xi32, #tpu.memory_space<vmem>> -> memref<128xi32, #tpu.memory_space<vmem>>
    %dma_start3A_383 = arith.constant 0 : i32
    %dma_start3A_384 = arith.constant 0 : i32
    %dma_start3A_385 = tpu.memref_slice %arg2[%dma_start3A_383, %dma_start3A_384] : memref<131072x128xf32, #tpu.memory_space<hbm>> -> memref<131072x128xf32, #tpu.memory_space<hbm>>
    tpu.enqueue_indirect_dma source(%dma_start3A_385 : memref<131072x128xf32, #tpu.memory_space<hbm>>) target(%arg12 : memref<128x128xf32, #tpu.memory_space<vmem>>) offsets(%dma_start3A_382 : memref<128xi32, #tpu.memory_space<vmem>>) semaphore(%arg19 : memref<!tpu.dma_semaphore, #tpu.memory_space<semaphore_mem>>)
    %dma_wait3A_386 = arith.constant 14 : i32
    %dma_wait3A_387 = arith.constant 0 : i32
    %dma_wait3A_388 = tpu.memref_slice %arg5[%dma_wait3A_386, %dma_wait3A_387] : memref<32x128xi32, #tpu.memory_space<vmem>> -> memref<1x128xi32, #tpu.memory_space<vmem>>
    %dma_wait3A_389 = tpu.memref_squeeze %dma_wait3A_388 : memref<1x128xi32, #tpu.memory_space<vmem>> -> memref<128xi32, #tpu.memory_space<vmem>>
    %dma_wait3A_390 = arith.constant 0 : i32
    %dma_wait3A_391 = arith.constant 0 : i32
    %dma_wait3A_392 = tpu.memref_slice %arg2[%dma_wait3A_390, %dma_wait3A_391] : memref<131072x128xf32, #tpu.memory_space<hbm>> -> memref<131072x128xf32, #tpu.memory_space<hbm>>
    tpu.wait_indirect_dma semaphore(%arg13 : memref<!tpu.dma_semaphore, #tpu.memory_space<semaphore_mem>>) src(%dma_wait3A_392 : memref<131072x128xf32, #tpu.memory_space<hbm>>) dst(%arg6 : memref<128x128xf32, #tpu.memory_space<vmem>>)
    %add3A_393 = arith.constant 1792 : i32
    %add3A_394 = arith.addi %mul3A_2, %add3A_393 : i32
    %dma_start3A_395 = arith.constant 0 : i32
    %dma_start3A_396 = tpu.memref_slice %arg4[%add3A_394, %dma_start3A_395] : memref<131072x128xf32, #tpu.memory_space<hbm>> -> memref<128x128xf32, #tpu.memory_space<hbm>>
    %dma_start3A_397 = arith.constant 0 : i32
    %dma_start3A_398 = tpu.memref_slice %arg4[%add3A_394, %dma_start3A_397] : memref<131072x128xf32, #tpu.memory_space<hbm>> -> memref<128x128xf32, #tpu.memory_space<hbm>>
    tpu.enqueue_dma source(%arg6 : memref<128x128xf32, #tpu.memory_space<vmem>>) target(%dma_start3A_398 : memref<128x128xf32, #tpu.memory_space<hbm>>) target_semaphore(%arg20 : memref<!tpu.dma_semaphore, #tpu.memory_space<semaphore_mem>>)
    %dma_wait3A_399 = arith.constant 0 : i32
    %dma_wait3A_400 = tpu.memref_slice %arg4[%add3A_394, %dma_wait3A_399] : memref<131072x128xf32, #tpu.memory_space<hbm>> -> memref<128x128xf32, #tpu.memory_space<hbm>>
    %dma_wait3A_401 = arith.constant 0 : i32
    %dma_wait3A_402 = tpu.memref_slice %arg4[%add3A_394, %dma_wait3A_401] : memref<131072x128xf32, #tpu.memory_space<hbm>> -> memref<128x128xf32, #tpu.memory_space<hbm>>
    tpu.wait_dma2 semaphore(%arg20 : memref<!tpu.dma_semaphore, #tpu.memory_space<semaphore_mem>>) src(%arg6 : memref<128x128xf32, #tpu.memory_space<vmem>>) dst(%dma_wait3A_402 : memref<128x128xf32, #tpu.memory_space<hbm>>)
    %dma_start3A_403 = arith.constant 21 : i32
    %dma_start3A_404 = arith.constant 0 : i32
    %dma_start3A_405 = tpu.memref_slice %arg5[%dma_start3A_403, %dma_start3A_404] : memref<32x128xi32, #tpu.memory_space<vmem>> -> memref<1x128xi32, #tpu.memory_space<vmem>>
    %dma_start3A_406 = tpu.memref_squeeze %dma_start3A_405 : memref<1x128xi32, #tpu.memory_space<vmem>> -> memref<128xi32, #tpu.memory_space<vmem>>
    %dma_start3A_407 = arith.constant 0 : i32
    %dma_start3A_408 = arith.constant 0 : i32
    %dma_start3A_409 = tpu.memref_slice %arg2[%dma_start3A_407, %dma_start3A_408] : memref<131072x128xf32, #tpu.memory_space<hbm>> -> memref<131072x128xf32, #tpu.memory_space<hbm>>
    tpu.enqueue_indirect_dma source(%dma_start3A_409 : memref<131072x128xf32, #tpu.memory_space<hbm>>) target(%arg6 : memref<128x128xf32, #tpu.memory_space<vmem>>) offsets(%dma_start3A_406 : memref<128xi32, #tpu.memory_space<vmem>>) semaphore(%arg13 : memref<!tpu.dma_semaphore, #tpu.memory_space<semaphore_mem>>)
    %dma_wait3A_410 = arith.constant 15 : i32
    %dma_wait3A_411 = arith.constant 0 : i32
    %dma_wait3A_412 = tpu.memref_slice %arg5[%dma_wait3A_410, %dma_wait3A_411] : memref<32x128xi32, #tpu.memory_space<vmem>> -> memref<1x128xi32, #tpu.memory_space<vmem>>
    %dma_wait3A_413 = tpu.memref_squeeze %dma_wait3A_412 : memref<1x128xi32, #tpu.memory_space<vmem>> -> memref<128xi32, #tpu.memory_space<vmem>>
    %dma_wait3A_414 = arith.constant 0 : i32
    %dma_wait3A_415 = arith.constant 0 : i32
    %dma_wait3A_416 = tpu.memref_slice %arg2[%dma_wait3A_414, %dma_wait3A_415] : memref<131072x128xf32, #tpu.memory_space<hbm>> -> memref<131072x128xf32, #tpu.memory_space<hbm>>
    tpu.wait_indirect_dma semaphore(%arg14 : memref<!tpu.dma_semaphore, #tpu.memory_space<semaphore_mem>>) src(%dma_wait3A_416 : memref<131072x128xf32, #tpu.memory_space<hbm>>) dst(%arg7 : memref<128x128xf32, #tpu.memory_space<vmem>>)
    %add3A_417 = arith.constant 1920 : i32
    %add3A_418 = arith.addi %mul3A_2, %add3A_417 : i32
    %dma_start3A_419 = arith.constant 0 : i32
    %dma_start3A_420 = tpu.memref_slice %arg4[%add3A_418, %dma_start3A_419] : memref<131072x128xf32, #tpu.memory_space<hbm>> -> memref<128x128xf32, #tpu.memory_space<hbm>>
    %dma_start3A_421 = arith.constant 0 : i32
    %dma_start3A_422 = tpu.memref_slice %arg4[%add3A_418, %dma_start3A_421] : memref<131072x128xf32, #tpu.memory_space<hbm>> -> memref<128x128xf32, #tpu.memory_space<hbm>>
    tpu.enqueue_dma source(%arg7 : memref<128x128xf32, #tpu.memory_space<vmem>>) target(%dma_start3A_422 : memref<128x128xf32, #tpu.memory_space<hbm>>) target_semaphore(%arg21 : memref<!tpu.dma_semaphore, #tpu.memory_space<semaphore_mem>>)
    %dma_wait3A_423 = arith.constant 0 : i32
    %dma_wait3A_424 = tpu.memref_slice %arg4[%add3A_418, %dma_wait3A_423] : memref<131072x128xf32, #tpu.memory_space<hbm>> -> memref<128x128xf32, #tpu.memory_space<hbm>>
    %dma_wait3A_425 = arith.constant 0 : i32
    %dma_wait3A_426 = tpu.memref_slice %arg4[%add3A_418, %dma_wait3A_425] : memref<131072x128xf32, #tpu.memory_space<hbm>> -> memref<128x128xf32, #tpu.memory_space<hbm>>
    tpu.wait_dma2 semaphore(%arg21 : memref<!tpu.dma_semaphore, #tpu.memory_space<semaphore_mem>>) src(%arg7 : memref<128x128xf32, #tpu.memory_space<vmem>>) dst(%dma_wait3A_426 : memref<128x128xf32, #tpu.memory_space<hbm>>)
    %dma_start3A_427 = arith.constant 22 : i32
    %dma_start3A_428 = arith.constant 0 : i32
    %dma_start3A_429 = tpu.memref_slice %arg5[%dma_start3A_427, %dma_start3A_428] : memref<32x128xi32, #tpu.memory_space<vmem>> -> memref<1x128xi32, #tpu.memory_space<vmem>>
    %dma_start3A_430 = tpu.memref_squeeze %dma_start3A_429 : memref<1x128xi32, #tpu.memory_space<vmem>> -> memref<128xi32, #tpu.memory_space<vmem>>
    %dma_start3A_431 = arith.constant 0 : i32
    %dma_start3A_432 = arith.constant 0 : i32
    %dma_start3A_433 = tpu.memref_slice %arg2[%dma_start3A_431, %dma_start3A_432] : memref<131072x128xf32, #tpu.memory_space<hbm>> -> memref<131072x128xf32, #tpu.memory_space<hbm>>
    tpu.enqueue_indirect_dma source(%dma_start3A_433 : memref<131072x128xf32, #tpu.memory_space<hbm>>) target(%arg7 : memref<128x128xf32, #tpu.memory_space<vmem>>) offsets(%dma_start3A_430 : memref<128xi32, #tpu.memory_space<vmem>>) semaphore(%arg14 : memref<!tpu.dma_semaphore, #tpu.memory_space<semaphore_mem>>)
    %dma_wait3A_434 = arith.constant 16 : i32
    %dma_wait3A_435 = arith.constant 0 : i32
    %dma_wait3A_436 = tpu.memref_slice %arg5[%dma_wait3A_434, %dma_wait3A_435] : memref<32x128xi32, #tpu.memory_space<vmem>> -> memref<1x128xi32, #tpu.memory_space<vmem>>
    %dma_wait3A_437 = tpu.memref_squeeze %dma_wait3A_436 : memref<1x128xi32, #tpu.memory_space<vmem>> -> memref<128xi32, #tpu.memory_space<vmem>>
    %dma_wait3A_438 = arith.constant 0 : i32
    %dma_wait3A_439 = arith.constant 0 : i32
    %dma_wait3A_440 = tpu.memref_slice %arg2[%dma_wait3A_438, %dma_wait3A_439] : memref<131072x128xf32, #tpu.memory_space<hbm>> -> memref<131072x128xf32, #tpu.memory_space<hbm>>
    tpu.wait_indirect_dma semaphore(%arg15 : memref<!tpu.dma_semaphore, #tpu.memory_space<semaphore_mem>>) src(%dma_wait3A_440 : memref<131072x128xf32, #tpu.memory_space<hbm>>) dst(%arg8 : memref<128x128xf32, #tpu.memory_space<vmem>>)
    %add3A_441 = arith.constant 2048 : i32
    %add3A_442 = arith.addi %mul3A_2, %add3A_441 : i32
    %dma_start3A_443 = arith.constant 0 : i32
    %dma_start3A_444 = tpu.memref_slice %arg4[%add3A_442, %dma_start3A_443] : memref<131072x128xf32, #tpu.memory_space<hbm>> -> memref<128x128xf32, #tpu.memory_space<hbm>>
    %dma_start3A_445 = arith.constant 0 : i32
    %dma_start3A_446 = tpu.memref_slice %arg4[%add3A_442, %dma_start3A_445] : memref<131072x128xf32, #tpu.memory_space<hbm>> -> memref<128x128xf32, #tpu.memory_space<hbm>>
    tpu.enqueue_dma source(%arg8 : memref<128x128xf32, #tpu.memory_space<vmem>>) target(%dma_start3A_446 : memref<128x128xf32, #tpu.memory_space<hbm>>) target_semaphore(%arg22 : memref<!tpu.dma_semaphore, #tpu.memory_space<semaphore_mem>>)
    %dma_wait3A_447 = arith.constant 0 : i32
    %dma_wait3A_448 = tpu.memref_slice %arg4[%add3A_442, %dma_wait3A_447] : memref<131072x128xf32, #tpu.memory_space<hbm>> -> memref<128x128xf32, #tpu.memory_space<hbm>>
    %dma_wait3A_449 = arith.constant 0 : i32
    %dma_wait3A_450 = tpu.memref_slice %arg4[%add3A_442, %dma_wait3A_449] : memref<131072x128xf32, #tpu.memory_space<hbm>> -> memref<128x128xf32, #tpu.memory_space<hbm>>
    tpu.wait_dma2 semaphore(%arg22 : memref<!tpu.dma_semaphore, #tpu.memory_space<semaphore_mem>>) src(%arg8 : memref<128x128xf32, #tpu.memory_space<vmem>>) dst(%dma_wait3A_450 : memref<128x128xf32, #tpu.memory_space<hbm>>)
    %dma_start3A_451 = arith.constant 23 : i32
    %dma_start3A_452 = arith.constant 0 : i32
    %dma_start3A_453 = tpu.memref_slice %arg5[%dma_start3A_451, %dma_start3A_452] : memref<32x128xi32, #tpu.memory_space<vmem>> -> memref<1x128xi32, #tpu.memory_space<vmem>>
    %dma_start3A_454 = tpu.memref_squeeze %dma_start3A_453 : memref<1x128xi32, #tpu.memory_space<vmem>> -> memref<128xi32, #tpu.memory_space<vmem>>
    %dma_start3A_455 = arith.constant 0 : i32
    %dma_start3A_456 = arith.constant 0 : i32
    %dma_start3A_457 = tpu.memref_slice %arg2[%dma_start3A_455, %dma_start3A_456] : memref<131072x128xf32, #tpu.memory_space<hbm>> -> memref<131072x128xf32, #tpu.memory_space<hbm>>
    tpu.enqueue_indirect_dma source(%dma_start3A_457 : memref<131072x128xf32, #tpu.memory_space<hbm>>) target(%arg8 : memref<128x128xf32, #tpu.memory_space<vmem>>) offsets(%dma_start3A_454 : memref<128xi32, #tpu.memory_space<vmem>>) semaphore(%arg15 : memref<!tpu.dma_semaphore, #tpu.memory_space<semaphore_mem>>)
    %dma_wait3A_458 = arith.constant 17 : i32
    %dma_wait3A_459 = arith.constant 0 : i32
    %dma_wait3A_460 = tpu.memref_slice %arg5[%dma_wait3A_458, %dma_wait3A_459] : memref<32x128xi32, #tpu.memory_space<vmem>> -> memref<1x128xi32, #tpu.memory_space<vmem>>
    %dma_wait3A_461 = tpu.memref_squeeze %dma_wait3A_460 : memref<1x128xi32, #tpu.memory_space<vmem>> -> memref<128xi32, #tpu.memory_space<vmem>>
    %dma_wait3A_462 = arith.constant 0 : i32
    %dma_wait3A_463 = arith.constant 0 : i32
    %dma_wait3A_464 = tpu.memref_slice %arg2[%dma_wait3A_462, %dma_wait3A_463] : memref<131072x128xf32, #tpu.memory_space<hbm>> -> memref<131072x128xf32, #tpu.memory_space<hbm>>
    tpu.wait_indirect_dma semaphore(%arg16 : memref<!tpu.dma_semaphore, #tpu.memory_space<semaphore_mem>>) src(%dma_wait3A_464 : memref<131072x128xf32, #tpu.memory_space<hbm>>) dst(%arg9 : memref<128x128xf32, #tpu.memory_space<vmem>>)
    %add3A_465 = arith.constant 2176 : i32
    %add3A_466 = arith.addi %mul3A_2, %add3A_465 : i32
    %dma_start3A_467 = arith.constant 0 : i32
    %dma_start3A_468 = tpu.memref_slice %arg4[%add3A_466, %dma_start3A_467] : memref<131072x128xf32, #tpu.memory_space<hbm>> -> memref<128x128xf32, #tpu.memory_space<hbm>>
    %dma_start3A_469 = arith.constant 0 : i32
    %dma_start3A_470 = tpu.memref_slice %arg4[%add3A_466, %dma_start3A_469] : memref<131072x128xf32, #tpu.memory_space<hbm>> -> memref<128x128xf32, #tpu.memory_space<hbm>>
    tpu.enqueue_dma source(%arg9 : memref<128x128xf32, #tpu.memory_space<vmem>>) target(%dma_start3A_470 : memref<128x128xf32, #tpu.memory_space<hbm>>) target_semaphore(%arg23 : memref<!tpu.dma_semaphore, #tpu.memory_space<semaphore_mem>>)
    %dma_wait3A_471 = arith.constant 0 : i32
    %dma_wait3A_472 = tpu.memref_slice %arg4[%add3A_466, %dma_wait3A_471] : memref<131072x128xf32, #tpu.memory_space<hbm>> -> memref<128x128xf32, #tpu.memory_space<hbm>>
    %dma_wait3A_473 = arith.constant 0 : i32
    %dma_wait3A_474 = tpu.memref_slice %arg4[%add3A_466, %dma_wait3A_473] : memref<131072x128xf32, #tpu.memory_space<hbm>> -> memref<128x128xf32, #tpu.memory_space<hbm>>
    tpu.wait_dma2 semaphore(%arg23 : memref<!tpu.dma_semaphore, #tpu.memory_space<semaphore_mem>>) src(%arg9 : memref<128x128xf32, #tpu.memory_space<vmem>>) dst(%dma_wait3A_474 : memref<128x128xf32, #tpu.memory_space<hbm>>)
    %dma_start3A_475 = arith.constant 24 : i32
    %dma_start3A_476 = arith.constant 0 : i32
    %dma_start3A_477 = tpu.memref_slice %arg5[%dma_start3A_475, %dma_start3A_476] : memref<32x128xi32, #tpu.memory_space<vmem>> -> memref<1x128xi32, #tpu.memory_space<vmem>>
    %dma_start3A_478 = tpu.memref_squeeze %dma_start3A_477 : memref<1x128xi32, #tpu.memory_space<vmem>> -> memref<128xi32, #tpu.memory_space<vmem>>
    %dma_start3A_479 = arith.constant 0 : i32
    %dma_start3A_480 = arith.constant 0 : i32
    %dma_start3A_481 = tpu.memref_slice %arg2[%dma_start3A_479, %dma_start3A_480] : memref<131072x128xf32, #tpu.memory_space<hbm>> -> memref<131072x128xf32, #tpu.memory_space<hbm>>
    tpu.enqueue_indirect_dma source(%dma_start3A_481 : memref<131072x128xf32, #tpu.memory_space<hbm>>) target(%arg9 : memref<128x128xf32, #tpu.memory_space<vmem>>) offsets(%dma_start3A_478 : memref<128xi32, #tpu.memory_space<vmem>>) semaphore(%arg16 : memref<!tpu.dma_semaphore, #tpu.memory_space<semaphore_mem>>)
    %dma_wait3A_482 = arith.constant 18 : i32
    %dma_wait3A_483 = arith.constant 0 : i32
    %dma_wait3A_484 = tpu.memref_slice %arg5[%dma_wait3A_482, %dma_wait3A_483] : memref<32x128xi32, #tpu.memory_space<vmem>> -> memref<1x128xi32, #tpu.memory_space<vmem>>
    %dma_wait3A_485 = tpu.memref_squeeze %dma_wait3A_484 : memref<1x128xi32, #tpu.memory_space<vmem>> -> memref<128xi32, #tpu.memory_space<vmem>>
    %dma_wait3A_486 = arith.constant 0 : i32
    %dma_wait3A_487 = arith.constant 0 : i32
    %dma_wait3A_488 = tpu.memref_slice %arg2[%dma_wait3A_486, %dma_wait3A_487] : memref<131072x128xf32, #tpu.memory_space<hbm>> -> memref<131072x128xf32, #tpu.memory_space<hbm>>
    tpu.wait_indirect_dma semaphore(%arg17 : memref<!tpu.dma_semaphore, #tpu.memory_space<semaphore_mem>>) src(%dma_wait3A_488 : memref<131072x128xf32, #tpu.memory_space<hbm>>) dst(%arg10 : memref<128x128xf32, #tpu.memory_space<vmem>>)
    %add3A_489 = arith.constant 2304 : i32
    %add3A_490 = arith.addi %mul3A_2, %add3A_489 : i32
    %dma_start3A_491 = arith.constant 0 : i32
    %dma_start3A_492 = tpu.memref_slice %arg4[%add3A_490, %dma_start3A_491] : memref<131072x128xf32, #tpu.memory_space<hbm>> -> memref<128x128xf32, #tpu.memory_space<hbm>>
    %dma_start3A_493 = arith.constant 0 : i32
    %dma_start3A_494 = tpu.memref_slice %arg4[%add3A_490, %dma_start3A_493] : memref<131072x128xf32, #tpu.memory_space<hbm>> -> memref<128x128xf32, #tpu.memory_space<hbm>>
    tpu.enqueue_dma source(%arg10 : memref<128x128xf32, #tpu.memory_space<vmem>>) target(%dma_start3A_494 : memref<128x128xf32, #tpu.memory_space<hbm>>) target_semaphore(%arg24 : memref<!tpu.dma_semaphore, #tpu.memory_space<semaphore_mem>>)
    %dma_wait3A_495 = arith.constant 0 : i32
    %dma_wait3A_496 = tpu.memref_slice %arg4[%add3A_490, %dma_wait3A_495] : memref<131072x128xf32, #tpu.memory_space<hbm>> -> memref<128x128xf32, #tpu.memory_space<hbm>>
    %dma_wait3A_497 = arith.constant 0 : i32
    %dma_wait3A_498 = tpu.memref_slice %arg4[%add3A_490, %dma_wait3A_497] : memref<131072x128xf32, #tpu.memory_space<hbm>> -> memref<128x128xf32, #tpu.memory_space<hbm>>
    tpu.wait_dma2 semaphore(%arg24 : memref<!tpu.dma_semaphore, #tpu.memory_space<semaphore_mem>>) src(%arg10 : memref<128x128xf32, #tpu.memory_space<vmem>>) dst(%dma_wait3A_498 : memref<128x128xf32, #tpu.memory_space<hbm>>)
    %dma_start3A_499 = arith.constant 25 : i32
    %dma_start3A_500 = arith.constant 0 : i32
    %dma_start3A_501 = tpu.memref_slice %arg5[%dma_start3A_499, %dma_start3A_500] : memref<32x128xi32, #tpu.memory_space<vmem>> -> memref<1x128xi32, #tpu.memory_space<vmem>>
    %dma_start3A_502 = tpu.memref_squeeze %dma_start3A_501 : memref<1x128xi32, #tpu.memory_space<vmem>> -> memref<128xi32, #tpu.memory_space<vmem>>
    %dma_start3A_503 = arith.constant 0 : i32
    %dma_start3A_504 = arith.constant 0 : i32
    %dma_start3A_505 = tpu.memref_slice %arg2[%dma_start3A_503, %dma_start3A_504] : memref<131072x128xf32, #tpu.memory_space<hbm>> -> memref<131072x128xf32, #tpu.memory_space<hbm>>
    tpu.enqueue_indirect_dma source(%dma_start3A_505 : memref<131072x128xf32, #tpu.memory_space<hbm>>) target(%arg10 : memref<128x128xf32, #tpu.memory_space<vmem>>) offsets(%dma_start3A_502 : memref<128xi32, #tpu.memory_space<vmem>>) semaphore(%arg17 : memref<!tpu.dma_semaphore, #tpu.memory_space<semaphore_mem>>)
    %dma_wait3A_506 = arith.constant 19 : i32
    %dma_wait3A_507 = arith.constant 0 : i32
    %dma_wait3A_508 = tpu.memref_slice %arg5[%dma_wait3A_506, %dma_wait3A_507] : memref<32x128xi32, #tpu.memory_space<vmem>> -> memref<1x128xi32, #tpu.memory_space<vmem>>
    %dma_wait3A_509 = tpu.memref_squeeze %dma_wait3A_508 : memref<1x128xi32, #tpu.memory_space<vmem>> -> memref<128xi32, #tpu.memory_space<vmem>>
    %dma_wait3A_510 = arith.constant 0 : i32
    %dma_wait3A_511 = arith.constant 0 : i32
    %dma_wait3A_512 = tpu.memref_slice %arg2[%dma_wait3A_510, %dma_wait3A_511] : memref<131072x128xf32, #tpu.memory_space<hbm>> -> memref<131072x128xf32, #tpu.memory_space<hbm>>
    tpu.wait_indirect_dma semaphore(%arg18 : memref<!tpu.dma_semaphore, #tpu.memory_space<semaphore_mem>>) src(%dma_wait3A_512 : memref<131072x128xf32, #tpu.memory_space<hbm>>) dst(%arg11 : memref<128x128xf32, #tpu.memory_space<vmem>>)
    %add3A_513 = arith.constant 2432 : i32
    %add3A_514 = arith.addi %mul3A_2, %add3A_513 : i32
    %dma_start3A_515 = arith.constant 0 : i32
    %dma_start3A_516 = tpu.memref_slice %arg4[%add3A_514, %dma_start3A_515] : memref<131072x128xf32, #tpu.memory_space<hbm>> -> memref<128x128xf32, #tpu.memory_space<hbm>>
    %dma_start3A_517 = arith.constant 0 : i32
    %dma_start3A_518 = tpu.memref_slice %arg4[%add3A_514, %dma_start3A_517] : memref<131072x128xf32, #tpu.memory_space<hbm>> -> memref<128x128xf32, #tpu.memory_space<hbm>>
    tpu.enqueue_dma source(%arg11 : memref<128x128xf32, #tpu.memory_space<vmem>>) target(%dma_start3A_518 : memref<128x128xf32, #tpu.memory_space<hbm>>) target_semaphore(%arg25 : memref<!tpu.dma_semaphore, #tpu.memory_space<semaphore_mem>>)
    %dma_wait3A_519 = arith.constant 0 : i32
    %dma_wait3A_520 = tpu.memref_slice %arg4[%add3A_514, %dma_wait3A_519] : memref<131072x128xf32, #tpu.memory_space<hbm>> -> memref<128x128xf32, #tpu.memory_space<hbm>>
    %dma_wait3A_521 = arith.constant 0 : i32
    %dma_wait3A_522 = tpu.memref_slice %arg4[%add3A_514, %dma_wait3A_521] : memref<131072x128xf32, #tpu.memory_space<hbm>> -> memref<128x128xf32, #tpu.memory_space<hbm>>
    tpu.wait_dma2 semaphore(%arg25 : memref<!tpu.dma_semaphore, #tpu.memory_space<semaphore_mem>>) src(%arg11 : memref<128x128xf32, #tpu.memory_space<vmem>>) dst(%dma_wait3A_522 : memref<128x128xf32, #tpu.memory_space<hbm>>)
    %dma_start3A_523 = arith.constant 26 : i32
    %dma_start3A_524 = arith.constant 0 : i32
    %dma_start3A_525 = tpu.memref_slice %arg5[%dma_start3A_523, %dma_start3A_524] : memref<32x128xi32, #tpu.memory_space<vmem>> -> memref<1x128xi32, #tpu.memory_space<vmem>>
    %dma_start3A_526 = tpu.memref_squeeze %dma_start3A_525 : memref<1x128xi32, #tpu.memory_space<vmem>> -> memref<128xi32, #tpu.memory_space<vmem>>
    %dma_start3A_527 = arith.constant 0 : i32
    %dma_start3A_528 = arith.constant 0 : i32
    %dma_start3A_529 = tpu.memref_slice %arg2[%dma_start3A_527, %dma_start3A_528] : memref<131072x128xf32, #tpu.memory_space<hbm>> -> memref<131072x128xf32, #tpu.memory_space<hbm>>
    tpu.enqueue_indirect_dma source(%dma_start3A_529 : memref<131072x128xf32, #tpu.memory_space<hbm>>) target(%arg11 : memref<128x128xf32, #tpu.memory_space<vmem>>) offsets(%dma_start3A_526 : memref<128xi32, #tpu.memory_space<vmem>>) semaphore(%arg18 : memref<!tpu.dma_semaphore, #tpu.memory_space<semaphore_mem>>)
    %dma_wait3A_530 = arith.constant 20 : i32
    %dma_wait3A_531 = arith.constant 0 : i32
    %dma_wait3A_532 = tpu.memref_slice %arg5[%dma_wait3A_530, %dma_wait3A_531] : memref<32x128xi32, #tpu.memory_space<vmem>> -> memref<1x128xi32, #tpu.memory_space<vmem>>
    %dma_wait3A_533 = tpu.memref_squeeze %dma_wait3A_532 : memref<1x128xi32, #tpu.memory_space<vmem>> -> memref<128xi32, #tpu.memory_space<vmem>>
    %dma_wait3A_534 = arith.constant 0 : i32
    %dma_wait3A_535 = arith.constant 0 : i32
    %dma_wait3A_536 = tpu.memref_slice %arg2[%dma_wait3A_534, %dma_wait3A_535] : memref<131072x128xf32, #tpu.memory_space<hbm>> -> memref<131072x128xf32, #tpu.memory_space<hbm>>
    tpu.wait_indirect_dma semaphore(%arg19 : memref<!tpu.dma_semaphore, #tpu.memory_space<semaphore_mem>>) src(%dma_wait3A_536 : memref<131072x128xf32, #tpu.memory_space<hbm>>) dst(%arg12 : memref<128x128xf32, #tpu.memory_space<vmem>>)
    %add3A_537 = arith.constant 2560 : i32
    %add3A_538 = arith.addi %mul3A_2, %add3A_537 : i32
    %dma_start3A_539 = arith.constant 0 : i32
    %dma_start3A_540 = tpu.memref_slice %arg4[%add3A_538, %dma_start3A_539] : memref<131072x128xf32, #tpu.memory_space<hbm>> -> memref<128x128xf32, #tpu.memory_space<hbm>>
    %dma_start3A_541 = arith.constant 0 : i32
    %dma_start3A_542 = tpu.memref_slice %arg4[%add3A_538, %dma_start3A_541] : memref<131072x128xf32, #tpu.memory_space<hbm>> -> memref<128x128xf32, #tpu.memory_space<hbm>>
    tpu.enqueue_dma source(%arg12 : memref<128x128xf32, #tpu.memory_space<vmem>>) target(%dma_start3A_542 : memref<128x128xf32, #tpu.memory_space<hbm>>) target_semaphore(%arg26 : memref<!tpu.dma_semaphore, #tpu.memory_space<semaphore_mem>>)
    %dma_wait3A_543 = arith.constant 0 : i32
    %dma_wait3A_544 = tpu.memref_slice %arg4[%add3A_538, %dma_wait3A_543] : memref<131072x128xf32, #tpu.memory_space<hbm>> -> memref<128x128xf32, #tpu.memory_space<hbm>>
    %dma_wait3A_545 = arith.constant 0 : i32
    %dma_wait3A_546 = tpu.memref_slice %arg4[%add3A_538, %dma_wait3A_545] : memref<131072x128xf32, #tpu.memory_space<hbm>> -> memref<128x128xf32, #tpu.memory_space<hbm>>
    tpu.wait_dma2 semaphore(%arg26 : memref<!tpu.dma_semaphore, #tpu.memory_space<semaphore_mem>>) src(%arg12 : memref<128x128xf32, #tpu.memory_space<vmem>>) dst(%dma_wait3A_546 : memref<128x128xf32, #tpu.memory_space<hbm>>)
    %dma_start3A_547 = arith.constant 27 : i32
    %dma_start3A_548 = arith.constant 0 : i32
    %dma_start3A_549 = tpu.memref_slice %arg5[%dma_start3A_547, %dma_start3A_548] : memref<32x128xi32, #tpu.memory_space<vmem>> -> memref<1x128xi32, #tpu.memory_space<vmem>>
    %dma_start3A_550 = tpu.memref_squeeze %dma_start3A_549 : memref<1x128xi32, #tpu.memory_space<vmem>> -> memref<128xi32, #tpu.memory_space<vmem>>
    %dma_start3A_551 = arith.constant 0 : i32
    %dma_start3A_552 = arith.constant 0 : i32
    %dma_start3A_553 = tpu.memref_slice %arg2[%dma_start3A_551, %dma_start3A_552] : memref<131072x128xf32, #tpu.memory_space<hbm>> -> memref<131072x128xf32, #tpu.memory_space<hbm>>
    tpu.enqueue_indirect_dma source(%dma_start3A_553 : memref<131072x128xf32, #tpu.memory_space<hbm>>) target(%arg12 : memref<128x128xf32, #tpu.memory_space<vmem>>) offsets(%dma_start3A_550 : memref<128xi32, #tpu.memory_space<vmem>>) semaphore(%arg19 : memref<!tpu.dma_semaphore, #tpu.memory_space<semaphore_mem>>)
    %dma_wait3A_554 = arith.constant 21 : i32
    %dma_wait3A_555 = arith.constant 0 : i32
    %dma_wait3A_556 = tpu.memref_slice %arg5[%dma_wait3A_554, %dma_wait3A_555] : memref<32x128xi32, #tpu.memory_space<vmem>> -> memref<1x128xi32, #tpu.memory_space<vmem>>
    %dma_wait3A_557 = tpu.memref_squeeze %dma_wait3A_556 : memref<1x128xi32, #tpu.memory_space<vmem>> -> memref<128xi32, #tpu.memory_space<vmem>>
    %dma_wait3A_558 = arith.constant 0 : i32
    %dma_wait3A_559 = arith.constant 0 : i32
    %dma_wait3A_560 = tpu.memref_slice %arg2[%dma_wait3A_558, %dma_wait3A_559] : memref<131072x128xf32, #tpu.memory_space<hbm>> -> memref<131072x128xf32, #tpu.memory_space<hbm>>
    tpu.wait_indirect_dma semaphore(%arg13 : memref<!tpu.dma_semaphore, #tpu.memory_space<semaphore_mem>>) src(%dma_wait3A_560 : memref<131072x128xf32, #tpu.memory_space<hbm>>) dst(%arg6 : memref<128x128xf32, #tpu.memory_space<vmem>>)
    %add3A_561 = arith.constant 2688 : i32
    %add3A_562 = arith.addi %mul3A_2, %add3A_561 : i32
    %dma_start3A_563 = arith.constant 0 : i32
    %dma_start3A_564 = tpu.memref_slice %arg4[%add3A_562, %dma_start3A_563] : memref<131072x128xf32, #tpu.memory_space<hbm>> -> memref<128x128xf32, #tpu.memory_space<hbm>>
    %dma_start3A_565 = arith.constant 0 : i32
    %dma_start3A_566 = tpu.memref_slice %arg4[%add3A_562, %dma_start3A_565] : memref<131072x128xf32, #tpu.memory_space<hbm>> -> memref<128x128xf32, #tpu.memory_space<hbm>>
    tpu.enqueue_dma source(%arg6 : memref<128x128xf32, #tpu.memory_space<vmem>>) target(%dma_start3A_566 : memref<128x128xf32, #tpu.memory_space<hbm>>) target_semaphore(%arg20 : memref<!tpu.dma_semaphore, #tpu.memory_space<semaphore_mem>>)
    %dma_wait3A_567 = arith.constant 0 : i32
    %dma_wait3A_568 = tpu.memref_slice %arg4[%add3A_562, %dma_wait3A_567] : memref<131072x128xf32, #tpu.memory_space<hbm>> -> memref<128x128xf32, #tpu.memory_space<hbm>>
    %dma_wait3A_569 = arith.constant 0 : i32
    %dma_wait3A_570 = tpu.memref_slice %arg4[%add3A_562, %dma_wait3A_569] : memref<131072x128xf32, #tpu.memory_space<hbm>> -> memref<128x128xf32, #tpu.memory_space<hbm>>
    tpu.wait_dma2 semaphore(%arg20 : memref<!tpu.dma_semaphore, #tpu.memory_space<semaphore_mem>>) src(%arg6 : memref<128x128xf32, #tpu.memory_space<vmem>>) dst(%dma_wait3A_570 : memref<128x128xf32, #tpu.memory_space<hbm>>)
    %dma_start3A_571 = arith.constant 28 : i32
    %dma_start3A_572 = arith.constant 0 : i32
    %dma_start3A_573 = tpu.memref_slice %arg5[%dma_start3A_571, %dma_start3A_572] : memref<32x128xi32, #tpu.memory_space<vmem>> -> memref<1x128xi32, #tpu.memory_space<vmem>>
    %dma_start3A_574 = tpu.memref_squeeze %dma_start3A_573 : memref<1x128xi32, #tpu.memory_space<vmem>> -> memref<128xi32, #tpu.memory_space<vmem>>
    %dma_start3A_575 = arith.constant 0 : i32
    %dma_start3A_576 = arith.constant 0 : i32
    %dma_start3A_577 = tpu.memref_slice %arg2[%dma_start3A_575, %dma_start3A_576] : memref<131072x128xf32, #tpu.memory_space<hbm>> -> memref<131072x128xf32, #tpu.memory_space<hbm>>
    tpu.enqueue_indirect_dma source(%dma_start3A_577 : memref<131072x128xf32, #tpu.memory_space<hbm>>) target(%arg6 : memref<128x128xf32, #tpu.memory_space<vmem>>) offsets(%dma_start3A_574 : memref<128xi32, #tpu.memory_space<vmem>>) semaphore(%arg13 : memref<!tpu.dma_semaphore, #tpu.memory_space<semaphore_mem>>)
    %dma_wait3A_578 = arith.constant 22 : i32
    %dma_wait3A_579 = arith.constant 0 : i32
    %dma_wait3A_580 = tpu.memref_slice %arg5[%dma_wait3A_578, %dma_wait3A_579] : memref<32x128xi32, #tpu.memory_space<vmem>> -> memref<1x128xi32, #tpu.memory_space<vmem>>
    %dma_wait3A_581 = tpu.memref_squeeze %dma_wait3A_580 : memref<1x128xi32, #tpu.memory_space<vmem>> -> memref<128xi32, #tpu.memory_space<vmem>>
    %dma_wait3A_582 = arith.constant 0 : i32
    %dma_wait3A_583 = arith.constant 0 : i32
    %dma_wait3A_584 = tpu.memref_slice %arg2[%dma_wait3A_582, %dma_wait3A_583] : memref<131072x128xf32, #tpu.memory_space<hbm>> -> memref<131072x128xf32, #tpu.memory_space<hbm>>
    tpu.wait_indirect_dma semaphore(%arg14 : memref<!tpu.dma_semaphore, #tpu.memory_space<semaphore_mem>>) src(%dma_wait3A_584 : memref<131072x128xf32, #tpu.memory_space<hbm>>) dst(%arg7 : memref<128x128xf32, #tpu.memory_space<vmem>>)
    %add3A_585 = arith.constant 2816 : i32
    %add3A_586 = arith.addi %mul3A_2, %add3A_585 : i32
    %dma_start3A_587 = arith.constant 0 : i32
    %dma_start3A_588 = tpu.memref_slice %arg4[%add3A_586, %dma_start3A_587] : memref<131072x128xf32, #tpu.memory_space<hbm>> -> memref<128x128xf32, #tpu.memory_space<hbm>>
    %dma_start3A_589 = arith.constant 0 : i32
    %dma_start3A_590 = tpu.memref_slice %arg4[%add3A_586, %dma_start3A_589] : memref<131072x128xf32, #tpu.memory_space<hbm>> -> memref<128x128xf32, #tpu.memory_space<hbm>>
    tpu.enqueue_dma source(%arg7 : memref<128x128xf32, #tpu.memory_space<vmem>>) target(%dma_start3A_590 : memref<128x128xf32, #tpu.memory_space<hbm>>) target_semaphore(%arg21 : memref<!tpu.dma_semaphore, #tpu.memory_space<semaphore_mem>>)
    %dma_wait3A_591 = arith.constant 0 : i32
    %dma_wait3A_592 = tpu.memref_slice %arg4[%add3A_586, %dma_wait3A_591] : memref<131072x128xf32, #tpu.memory_space<hbm>> -> memref<128x128xf32, #tpu.memory_space<hbm>>
    %dma_wait3A_593 = arith.constant 0 : i32
    %dma_wait3A_594 = tpu.memref_slice %arg4[%add3A_586, %dma_wait3A_593] : memref<131072x128xf32, #tpu.memory_space<hbm>> -> memref<128x128xf32, #tpu.memory_space<hbm>>
    tpu.wait_dma2 semaphore(%arg21 : memref<!tpu.dma_semaphore, #tpu.memory_space<semaphore_mem>>) src(%arg7 : memref<128x128xf32, #tpu.memory_space<vmem>>) dst(%dma_wait3A_594 : memref<128x128xf32, #tpu.memory_space<hbm>>)
    %dma_start3A_595 = arith.constant 29 : i32
    %dma_start3A_596 = arith.constant 0 : i32
    %dma_start3A_597 = tpu.memref_slice %arg5[%dma_start3A_595, %dma_start3A_596] : memref<32x128xi32, #tpu.memory_space<vmem>> -> memref<1x128xi32, #tpu.memory_space<vmem>>
    %dma_start3A_598 = tpu.memref_squeeze %dma_start3A_597 : memref<1x128xi32, #tpu.memory_space<vmem>> -> memref<128xi32, #tpu.memory_space<vmem>>
    %dma_start3A_599 = arith.constant 0 : i32
    %dma_start3A_600 = arith.constant 0 : i32
    %dma_start3A_601 = tpu.memref_slice %arg2[%dma_start3A_599, %dma_start3A_600] : memref<131072x128xf32, #tpu.memory_space<hbm>> -> memref<131072x128xf32, #tpu.memory_space<hbm>>
    tpu.enqueue_indirect_dma source(%dma_start3A_601 : memref<131072x128xf32, #tpu.memory_space<hbm>>) target(%arg7 : memref<128x128xf32, #tpu.memory_space<vmem>>) offsets(%dma_start3A_598 : memref<128xi32, #tpu.memory_space<vmem>>) semaphore(%arg14 : memref<!tpu.dma_semaphore, #tpu.memory_space<semaphore_mem>>)
    %dma_wait3A_602 = arith.constant 23 : i32
    %dma_wait3A_603 = arith.constant 0 : i32
    %dma_wait3A_604 = tpu.memref_slice %arg5[%dma_wait3A_602, %dma_wait3A_603] : memref<32x128xi32, #tpu.memory_space<vmem>> -> memref<1x128xi32, #tpu.memory_space<vmem>>
    %dma_wait3A_605 = tpu.memref_squeeze %dma_wait3A_604 : memref<1x128xi32, #tpu.memory_space<vmem>> -> memref<128xi32, #tpu.memory_space<vmem>>
    %dma_wait3A_606 = arith.constant 0 : i32
    %dma_wait3A_607 = arith.constant 0 : i32
    %dma_wait3A_608 = tpu.memref_slice %arg2[%dma_wait3A_606, %dma_wait3A_607] : memref<131072x128xf32, #tpu.memory_space<hbm>> -> memref<131072x128xf32, #tpu.memory_space<hbm>>
    tpu.wait_indirect_dma semaphore(%arg15 : memref<!tpu.dma_semaphore, #tpu.memory_space<semaphore_mem>>) src(%dma_wait3A_608 : memref<131072x128xf32, #tpu.memory_space<hbm>>) dst(%arg8 : memref<128x128xf32, #tpu.memory_space<vmem>>)
    %add3A_609 = arith.constant 2944 : i32
    %add3A_610 = arith.addi %mul3A_2, %add3A_609 : i32
    %dma_start3A_611 = arith.constant 0 : i32
    %dma_start3A_612 = tpu.memref_slice %arg4[%add3A_610, %dma_start3A_611] : memref<131072x128xf32, #tpu.memory_space<hbm>> -> memref<128x128xf32, #tpu.memory_space<hbm>>
    %dma_start3A_613 = arith.constant 0 : i32
    %dma_start3A_614 = tpu.memref_slice %arg4[%add3A_610, %dma_start3A_613] : memref<131072x128xf32, #tpu.memory_space<hbm>> -> memref<128x128xf32, #tpu.memory_space<hbm>>
    tpu.enqueue_dma source(%arg8 : memref<128x128xf32, #tpu.memory_space<vmem>>) target(%dma_start3A_614 : memref<128x128xf32, #tpu.memory_space<hbm>>) target_semaphore(%arg22 : memref<!tpu.dma_semaphore, #tpu.memory_space<semaphore_mem>>)
    %dma_wait3A_615 = arith.constant 0 : i32
    %dma_wait3A_616 = tpu.memref_slice %arg4[%add3A_610, %dma_wait3A_615] : memref<131072x128xf32, #tpu.memory_space<hbm>> -> memref<128x128xf32, #tpu.memory_space<hbm>>
    %dma_wait3A_617 = arith.constant 0 : i32
    %dma_wait3A_618 = tpu.memref_slice %arg4[%add3A_610, %dma_wait3A_617] : memref<131072x128xf32, #tpu.memory_space<hbm>> -> memref<128x128xf32, #tpu.memory_space<hbm>>
    tpu.wait_dma2 semaphore(%arg22 : memref<!tpu.dma_semaphore, #tpu.memory_space<semaphore_mem>>) src(%arg8 : memref<128x128xf32, #tpu.memory_space<vmem>>) dst(%dma_wait3A_618 : memref<128x128xf32, #tpu.memory_space<hbm>>)
    %dma_start3A_619 = arith.constant 30 : i32
    %dma_start3A_620 = arith.constant 0 : i32
    %dma_start3A_621 = tpu.memref_slice %arg5[%dma_start3A_619, %dma_start3A_620] : memref<32x128xi32, #tpu.memory_space<vmem>> -> memref<1x128xi32, #tpu.memory_space<vmem>>
    %dma_start3A_622 = tpu.memref_squeeze %dma_start3A_621 : memref<1x128xi32, #tpu.memory_space<vmem>> -> memref<128xi32, #tpu.memory_space<vmem>>
    %dma_start3A_623 = arith.constant 0 : i32
    %dma_start3A_624 = arith.constant 0 : i32
    %dma_start3A_625 = tpu.memref_slice %arg2[%dma_start3A_623, %dma_start3A_624] : memref<131072x128xf32, #tpu.memory_space<hbm>> -> memref<131072x128xf32, #tpu.memory_space<hbm>>
    tpu.enqueue_indirect_dma source(%dma_start3A_625 : memref<131072x128xf32, #tpu.memory_space<hbm>>) target(%arg8 : memref<128x128xf32, #tpu.memory_space<vmem>>) offsets(%dma_start3A_622 : memref<128xi32, #tpu.memory_space<vmem>>) semaphore(%arg15 : memref<!tpu.dma_semaphore, #tpu.memory_space<semaphore_mem>>)
    %dma_wait3A_626 = arith.constant 24 : i32
    %dma_wait3A_627 = arith.constant 0 : i32
    %dma_wait3A_628 = tpu.memref_slice %arg5[%dma_wait3A_626, %dma_wait3A_627] : memref<32x128xi32, #tpu.memory_space<vmem>> -> memref<1x128xi32, #tpu.memory_space<vmem>>
    %dma_wait3A_629 = tpu.memref_squeeze %dma_wait3A_628 : memref<1x128xi32, #tpu.memory_space<vmem>> -> memref<128xi32, #tpu.memory_space<vmem>>
    %dma_wait3A_630 = arith.constant 0 : i32
    %dma_wait3A_631 = arith.constant 0 : i32
    %dma_wait3A_632 = tpu.memref_slice %arg2[%dma_wait3A_630, %dma_wait3A_631] : memref<131072x128xf32, #tpu.memory_space<hbm>> -> memref<131072x128xf32, #tpu.memory_space<hbm>>
    tpu.wait_indirect_dma semaphore(%arg16 : memref<!tpu.dma_semaphore, #tpu.memory_space<semaphore_mem>>) src(%dma_wait3A_632 : memref<131072x128xf32, #tpu.memory_space<hbm>>) dst(%arg9 : memref<128x128xf32, #tpu.memory_space<vmem>>)
    %add3A_633 = arith.constant 3072 : i32
    %add3A_634 = arith.addi %mul3A_2, %add3A_633 : i32
    %dma_start3A_635 = arith.constant 0 : i32
    %dma_start3A_636 = tpu.memref_slice %arg4[%add3A_634, %dma_start3A_635] : memref<131072x128xf32, #tpu.memory_space<hbm>> -> memref<128x128xf32, #tpu.memory_space<hbm>>
    %dma_start3A_637 = arith.constant 0 : i32
    %dma_start3A_638 = tpu.memref_slice %arg4[%add3A_634, %dma_start3A_637] : memref<131072x128xf32, #tpu.memory_space<hbm>> -> memref<128x128xf32, #tpu.memory_space<hbm>>
    tpu.enqueue_dma source(%arg9 : memref<128x128xf32, #tpu.memory_space<vmem>>) target(%dma_start3A_638 : memref<128x128xf32, #tpu.memory_space<hbm>>) target_semaphore(%arg23 : memref<!tpu.dma_semaphore, #tpu.memory_space<semaphore_mem>>)
    %dma_wait3A_639 = arith.constant 0 : i32
    %dma_wait3A_640 = tpu.memref_slice %arg4[%add3A_634, %dma_wait3A_639] : memref<131072x128xf32, #tpu.memory_space<hbm>> -> memref<128x128xf32, #tpu.memory_space<hbm>>
    %dma_wait3A_641 = arith.constant 0 : i32
    %dma_wait3A_642 = tpu.memref_slice %arg4[%add3A_634, %dma_wait3A_641] : memref<131072x128xf32, #tpu.memory_space<hbm>> -> memref<128x128xf32, #tpu.memory_space<hbm>>
    tpu.wait_dma2 semaphore(%arg23 : memref<!tpu.dma_semaphore, #tpu.memory_space<semaphore_mem>>) src(%arg9 : memref<128x128xf32, #tpu.memory_space<vmem>>) dst(%dma_wait3A_642 : memref<128x128xf32, #tpu.memory_space<hbm>>)
    %dma_start3A_643 = arith.constant 31 : i32
    %dma_start3A_644 = arith.constant 0 : i32
    %dma_start3A_645 = tpu.memref_slice %arg5[%dma_start3A_643, %dma_start3A_644] : memref<32x128xi32, #tpu.memory_space<vmem>> -> memref<1x128xi32, #tpu.memory_space<vmem>>
    %dma_start3A_646 = tpu.memref_squeeze %dma_start3A_645 : memref<1x128xi32, #tpu.memory_space<vmem>> -> memref<128xi32, #tpu.memory_space<vmem>>
    %dma_start3A_647 = arith.constant 0 : i32
    %dma_start3A_648 = arith.constant 0 : i32
    %dma_start3A_649 = tpu.memref_slice %arg2[%dma_start3A_647, %dma_start3A_648] : memref<131072x128xf32, #tpu.memory_space<hbm>> -> memref<131072x128xf32, #tpu.memory_space<hbm>>
    tpu.enqueue_indirect_dma source(%dma_start3A_649 : memref<131072x128xf32, #tpu.memory_space<hbm>>) target(%arg9 : memref<128x128xf32, #tpu.memory_space<vmem>>) offsets(%dma_start3A_646 : memref<128xi32, #tpu.memory_space<vmem>>) semaphore(%arg16 : memref<!tpu.dma_semaphore, #tpu.memory_space<semaphore_mem>>)
    %dma_wait3A_650 = arith.constant 25 : i32
    %dma_wait3A_651 = arith.constant 0 : i32
    %dma_wait3A_652 = tpu.memref_slice %arg5[%dma_wait3A_650, %dma_wait3A_651] : memref<32x128xi32, #tpu.memory_space<vmem>> -> memref<1x128xi32, #tpu.memory_space<vmem>>
    %dma_wait3A_653 = tpu.memref_squeeze %dma_wait3A_652 : memref<1x128xi32, #tpu.memory_space<vmem>> -> memref<128xi32, #tpu.memory_space<vmem>>
    %dma_wait3A_654 = arith.constant 0 : i32
    %dma_wait3A_655 = arith.constant 0 : i32
    %dma_wait3A_656 = tpu.memref_slice %arg2[%dma_wait3A_654, %dma_wait3A_655] : memref<131072x128xf32, #tpu.memory_space<hbm>> -> memref<131072x128xf32, #tpu.memory_space<hbm>>
    tpu.wait_indirect_dma semaphore(%arg17 : memref<!tpu.dma_semaphore, #tpu.memory_space<semaphore_mem>>) src(%dma_wait3A_656 : memref<131072x128xf32, #tpu.memory_space<hbm>>) dst(%arg10 : memref<128x128xf32, #tpu.memory_space<vmem>>)
    %add3A_657 = arith.constant 3200 : i32
    %add3A_658 = arith.addi %mul3A_2, %add3A_657 : i32
    %dma_start3A_659 = arith.constant 0 : i32
    %dma_start3A_660 = tpu.memref_slice %arg4[%add3A_658, %dma_start3A_659] : memref<131072x128xf32, #tpu.memory_space<hbm>> -> memref<128x128xf32, #tpu.memory_space<hbm>>
    %dma_start3A_661 = arith.constant 0 : i32
    %dma_start3A_662 = tpu.memref_slice %arg4[%add3A_658, %dma_start3A_661] : memref<131072x128xf32, #tpu.memory_space<hbm>> -> memref<128x128xf32, #tpu.memory_space<hbm>>
    tpu.enqueue_dma source(%arg10 : memref<128x128xf32, #tpu.memory_space<vmem>>) target(%dma_start3A_662 : memref<128x128xf32, #tpu.memory_space<hbm>>) target_semaphore(%arg24 : memref<!tpu.dma_semaphore, #tpu.memory_space<semaphore_mem>>)
    %dma_wait3A_663 = arith.constant 26 : i32
    %dma_wait3A_664 = arith.constant 0 : i32
    %dma_wait3A_665 = tpu.memref_slice %arg5[%dma_wait3A_663, %dma_wait3A_664] : memref<32x128xi32, #tpu.memory_space<vmem>> -> memref<1x128xi32, #tpu.memory_space<vmem>>
    %dma_wait3A_666 = tpu.memref_squeeze %dma_wait3A_665 : memref<1x128xi32, #tpu.memory_space<vmem>> -> memref<128xi32, #tpu.memory_space<vmem>>
    %dma_wait3A_667 = arith.constant 0 : i32
    %dma_wait3A_668 = arith.constant 0 : i32
    %dma_wait3A_669 = tpu.memref_slice %arg2[%dma_wait3A_667, %dma_wait3A_668] : memref<131072x128xf32, #tpu.memory_space<hbm>> -> memref<131072x128xf32, #tpu.memory_space<hbm>>
    tpu.wait_indirect_dma semaphore(%arg18 : memref<!tpu.dma_semaphore, #tpu.memory_space<semaphore_mem>>) src(%dma_wait3A_669 : memref<131072x128xf32, #tpu.memory_space<hbm>>) dst(%arg11 : memref<128x128xf32, #tpu.memory_space<vmem>>)
    %add3A_670 = arith.constant 3328 : i32
    %add3A_671 = arith.addi %mul3A_2, %add3A_670 : i32
    %dma_start3A_672 = arith.constant 0 : i32
    %dma_start3A_673 = tpu.memref_slice %arg4[%add3A_671, %dma_start3A_672] : memref<131072x128xf32, #tpu.memory_space<hbm>> -> memref<128x128xf32, #tpu.memory_space<hbm>>
    %dma_start3A_674 = arith.constant 0 : i32
    %dma_start3A_675 = tpu.memref_slice %arg4[%add3A_671, %dma_start3A_674] : memref<131072x128xf32, #tpu.memory_space<hbm>> -> memref<128x128xf32, #tpu.memory_space<hbm>>
    tpu.enqueue_dma source(%arg11 : memref<128x128xf32, #tpu.memory_space<vmem>>) target(%dma_start3A_675 : memref<128x128xf32, #tpu.memory_space<hbm>>) target_semaphore(%arg25 : memref<!tpu.dma_semaphore, #tpu.memory_space<semaphore_mem>>)
    %dma_wait3A_676 = arith.constant 27 : i32
    %dma_wait3A_677 = arith.constant 0 : i32
    %dma_wait3A_678 = tpu.memref_slice %arg5[%dma_wait3A_676, %dma_wait3A_677] : memref<32x128xi32, #tpu.memory_space<vmem>> -> memref<1x128xi32, #tpu.memory_space<vmem>>
    %dma_wait3A_679 = tpu.memref_squeeze %dma_wait3A_678 : memref<1x128xi32, #tpu.memory_space<vmem>> -> memref<128xi32, #tpu.memory_space<vmem>>
    %dma_wait3A_680 = arith.constant 0 : i32
    %dma_wait3A_681 = arith.constant 0 : i32
    %dma_wait3A_682 = tpu.memref_slice %arg2[%dma_wait3A_680, %dma_wait3A_681] : memref<131072x128xf32, #tpu.memory_space<hbm>> -> memref<131072x128xf32, #tpu.memory_space<hbm>>
    tpu.wait_indirect_dma semaphore(%arg19 : memref<!tpu.dma_semaphore, #tpu.memory_space<semaphore_mem>>) src(%dma_wait3A_682 : memref<131072x128xf32, #tpu.memory_space<hbm>>) dst(%arg12 : memref<128x128xf32, #tpu.memory_space<vmem>>)
    %add3A_683 = arith.constant 3456 : i32
    %add3A_684 = arith.addi %mul3A_2, %add3A_683 : i32
    %dma_start3A_685 = arith.constant 0 : i32
    %dma_start3A_686 = tpu.memref_slice %arg4[%add3A_684, %dma_start3A_685] : memref<131072x128xf32, #tpu.memory_space<hbm>> -> memref<128x128xf32, #tpu.memory_space<hbm>>
    %dma_start3A_687 = arith.constant 0 : i32
    %dma_start3A_688 = tpu.memref_slice %arg4[%add3A_684, %dma_start3A_687] : memref<131072x128xf32, #tpu.memory_space<hbm>> -> memref<128x128xf32, #tpu.memory_space<hbm>>
    tpu.enqueue_dma source(%arg12 : memref<128x128xf32, #tpu.memory_space<vmem>>) target(%dma_start3A_688 : memref<128x128xf32, #tpu.memory_space<hbm>>) target_semaphore(%arg26 : memref<!tpu.dma_semaphore, #tpu.memory_space<semaphore_mem>>)
    %dma_wait3A_689 = arith.constant 28 : i32
    %dma_wait3A_690 = arith.constant 0 : i32
    %dma_wait3A_691 = tpu.memref_slice %arg5[%dma_wait3A_689, %dma_wait3A_690] : memref<32x128xi32, #tpu.memory_space<vmem>> -> memref<1x128xi32, #tpu.memory_space<vmem>>
    %dma_wait3A_692 = tpu.memref_squeeze %dma_wait3A_691 : memref<1x128xi32, #tpu.memory_space<vmem>> -> memref<128xi32, #tpu.memory_space<vmem>>
    %dma_wait3A_693 = arith.constant 0 : i32
    %dma_wait3A_694 = arith.constant 0 : i32
    %dma_wait3A_695 = tpu.memref_slice %arg2[%dma_wait3A_693, %dma_wait3A_694] : memref<131072x128xf32, #tpu.memory_space<hbm>> -> memref<131072x128xf32, #tpu.memory_space<hbm>>
    tpu.wait_indirect_dma semaphore(%arg13 : memref<!tpu.dma_semaphore, #tpu.memory_space<semaphore_mem>>) src(%dma_wait3A_695 : memref<131072x128xf32, #tpu.memory_space<hbm>>) dst(%arg6 : memref<128x128xf32, #tpu.memory_space<vmem>>)
    %add3A_696 = arith.constant 3584 : i32
    %add3A_697 = arith.addi %mul3A_2, %add3A_696 : i32
    %dma_start3A_698 = arith.constant 0 : i32
    %dma_start3A_699 = tpu.memref_slice %arg4[%add3A_697, %dma_start3A_698] : memref<131072x128xf32, #tpu.memory_space<hbm>> -> memref<128x128xf32, #tpu.memory_space<hbm>>
    %dma_start3A_700 = arith.constant 0 : i32
    %dma_start3A_701 = tpu.memref_slice %arg4[%add3A_697, %dma_start3A_700] : memref<131072x128xf32, #tpu.memory_space<hbm>> -> memref<128x128xf32, #tpu.memory_space<hbm>>
    tpu.enqueue_dma source(%arg6 : memref<128x128xf32, #tpu.memory_space<vmem>>) target(%dma_start3A_701 : memref<128x128xf32, #tpu.memory_space<hbm>>) target_semaphore(%arg20 : memref<!tpu.dma_semaphore, #tpu.memory_space<semaphore_mem>>)
    %dma_wait3A_702 = arith.constant 29 : i32
    %dma_wait3A_703 = arith.constant 0 : i32
    %dma_wait3A_704 = tpu.memref_slice %arg5[%dma_wait3A_702, %dma_wait3A_703] : memref<32x128xi32, #tpu.memory_space<vmem>> -> memref<1x128xi32, #tpu.memory_space<vmem>>
    %dma_wait3A_705 = tpu.memref_squeeze %dma_wait3A_704 : memref<1x128xi32, #tpu.memory_space<vmem>> -> memref<128xi32, #tpu.memory_space<vmem>>
    %dma_wait3A_706 = arith.constant 0 : i32
    %dma_wait3A_707 = arith.constant 0 : i32
    %dma_wait3A_708 = tpu.memref_slice %arg2[%dma_wait3A_706, %dma_wait3A_707] : memref<131072x128xf32, #tpu.memory_space<hbm>> -> memref<131072x128xf32, #tpu.memory_space<hbm>>
    tpu.wait_indirect_dma semaphore(%arg14 : memref<!tpu.dma_semaphore, #tpu.memory_space<semaphore_mem>>) src(%dma_wait3A_708 : memref<131072x128xf32, #tpu.memory_space<hbm>>) dst(%arg7 : memref<128x128xf32, #tpu.memory_space<vmem>>)
    %add3A_709 = arith.constant 3712 : i32
    %add3A_710 = arith.addi %mul3A_2, %add3A_709 : i32
    %dma_start3A_711 = arith.constant 0 : i32
    %dma_start3A_712 = tpu.memref_slice %arg4[%add3A_710, %dma_start3A_711] : memref<131072x128xf32, #tpu.memory_space<hbm>> -> memref<128x128xf32, #tpu.memory_space<hbm>>
    %dma_start3A_713 = arith.constant 0 : i32
    %dma_start3A_714 = tpu.memref_slice %arg4[%add3A_710, %dma_start3A_713] : memref<131072x128xf32, #tpu.memory_space<hbm>> -> memref<128x128xf32, #tpu.memory_space<hbm>>
    tpu.enqueue_dma source(%arg7 : memref<128x128xf32, #tpu.memory_space<vmem>>) target(%dma_start3A_714 : memref<128x128xf32, #tpu.memory_space<hbm>>) target_semaphore(%arg21 : memref<!tpu.dma_semaphore, #tpu.memory_space<semaphore_mem>>)
    %dma_wait3A_715 = arith.constant 30 : i32
    %dma_wait3A_716 = arith.constant 0 : i32
    %dma_wait3A_717 = tpu.memref_slice %arg5[%dma_wait3A_715, %dma_wait3A_716] : memref<32x128xi32, #tpu.memory_space<vmem>> -> memref<1x128xi32, #tpu.memory_space<vmem>>
    %dma_wait3A_718 = tpu.memref_squeeze %dma_wait3A_717 : memref<1x128xi32, #tpu.memory_space<vmem>> -> memref<128xi32, #tpu.memory_space<vmem>>
    %dma_wait3A_719 = arith.constant 0 : i32
    %dma_wait3A_720 = arith.constant 0 : i32
    %dma_wait3A_721 = tpu.memref_slice %arg2[%dma_wait3A_719, %dma_wait3A_720] : memref<131072x128xf32, #tpu.memory_space<hbm>> -> memref<131072x128xf32, #tpu.memory_space<hbm>>
    tpu.wait_indirect_dma semaphore(%arg15 : memref<!tpu.dma_semaphore, #tpu.memory_space<semaphore_mem>>) src(%dma_wait3A_721 : memref<131072x128xf32, #tpu.memory_space<hbm>>) dst(%arg8 : memref<128x128xf32, #tpu.memory_space<vmem>>)
    %add3A_722 = arith.constant 3840 : i32
    %add3A_723 = arith.addi %mul3A_2, %add3A_722 : i32
    %dma_start3A_724 = arith.constant 0 : i32
    %dma_start3A_725 = tpu.memref_slice %arg4[%add3A_723, %dma_start3A_724] : memref<131072x128xf32, #tpu.memory_space<hbm>> -> memref<128x128xf32, #tpu.memory_space<hbm>>
    %dma_start3A_726 = arith.constant 0 : i32
    %dma_start3A_727 = tpu.memref_slice %arg4[%add3A_723, %dma_start3A_726] : memref<131072x128xf32, #tpu.memory_space<hbm>> -> memref<128x128xf32, #tpu.memory_space<hbm>>
    tpu.enqueue_dma source(%arg8 : memref<128x128xf32, #tpu.memory_space<vmem>>) target(%dma_start3A_727 : memref<128x128xf32, #tpu.memory_space<hbm>>) target_semaphore(%arg22 : memref<!tpu.dma_semaphore, #tpu.memory_space<semaphore_mem>>)
    %dma_wait3A_728 = arith.constant 31 : i32
    %dma_wait3A_729 = arith.constant 0 : i32
    %dma_wait3A_730 = tpu.memref_slice %arg5[%dma_wait3A_728, %dma_wait3A_729] : memref<32x128xi32, #tpu.memory_space<vmem>> -> memref<1x128xi32, #tpu.memory_space<vmem>>
    %dma_wait3A_731 = tpu.memref_squeeze %dma_wait3A_730 : memref<1x128xi32, #tpu.memory_space<vmem>> -> memref<128xi32, #tpu.memory_space<vmem>>
    %dma_wait3A_732 = arith.constant 0 : i32
    %dma_wait3A_733 = arith.constant 0 : i32
    %dma_wait3A_734 = tpu.memref_slice %arg2[%dma_wait3A_732, %dma_wait3A_733] : memref<131072x128xf32, #tpu.memory_space<hbm>> -> memref<131072x128xf32, #tpu.memory_space<hbm>>
    tpu.wait_indirect_dma semaphore(%arg16 : memref<!tpu.dma_semaphore, #tpu.memory_space<semaphore_mem>>) src(%dma_wait3A_734 : memref<131072x128xf32, #tpu.memory_space<hbm>>) dst(%arg9 : memref<128x128xf32, #tpu.memory_space<vmem>>)
    %add3A_735 = arith.constant 3968 : i32
    %add3A_736 = arith.addi %mul3A_2, %add3A_735 : i32
    %dma_start3A_737 = arith.constant 0 : i32
    %dma_start3A_738 = tpu.memref_slice %arg4[%add3A_736, %dma_start3A_737] : memref<131072x128xf32, #tpu.memory_space<hbm>> -> memref<128x128xf32, #tpu.memory_space<hbm>>
    %dma_start3A_739 = arith.constant 0 : i32
    %dma_start3A_740 = tpu.memref_slice %arg4[%add3A_736, %dma_start3A_739] : memref<131072x128xf32, #tpu.memory_space<hbm>> -> memref<128x128xf32, #tpu.memory_space<hbm>>
    tpu.enqueue_dma source(%arg9 : memref<128x128xf32, #tpu.memory_space<vmem>>) target(%dma_start3A_740 : memref<128x128xf32, #tpu.memory_space<hbm>>) target_semaphore(%arg23 : memref<!tpu.dma_semaphore, #tpu.memory_space<semaphore_mem>>)
    %dma_wait3A_741 = arith.constant 0 : i32
    %dma_wait3A_742 = tpu.memref_slice %arg4[%add3A_658, %dma_wait3A_741] : memref<131072x128xf32, #tpu.memory_space<hbm>> -> memref<128x128xf32, #tpu.memory_space<hbm>>
    %dma_wait3A_743 = arith.constant 0 : i32
    %dma_wait3A_744 = tpu.memref_slice %arg4[%add3A_658, %dma_wait3A_743] : memref<131072x128xf32, #tpu.memory_space<hbm>> -> memref<128x128xf32, #tpu.memory_space<hbm>>
    tpu.wait_dma2 semaphore(%arg24 : memref<!tpu.dma_semaphore, #tpu.memory_space<semaphore_mem>>) src(%arg10 : memref<128x128xf32, #tpu.memory_space<vmem>>) dst(%dma_wait3A_744 : memref<128x128xf32, #tpu.memory_space<hbm>>)
    %dma_wait3A_745 = arith.constant 0 : i32
    %dma_wait3A_746 = tpu.memref_slice %arg4[%add3A_671, %dma_wait3A_745] : memref<131072x128xf32, #tpu.memory_space<hbm>> -> memref<128x128xf32, #tpu.memory_space<hbm>>
    %dma_wait3A_747 = arith.constant 0 : i32
    %dma_wait3A_748 = tpu.memref_slice %arg4[%add3A_671, %dma_wait3A_747] : memref<131072x128xf32, #tpu.memory_space<hbm>> -> memref<128x128xf32, #tpu.memory_space<hbm>>
    tpu.wait_dma2 semaphore(%arg25 : memref<!tpu.dma_semaphore, #tpu.memory_space<semaphore_mem>>) src(%arg11 : memref<128x128xf32, #tpu.memory_space<vmem>>) dst(%dma_wait3A_748 : memref<128x128xf32, #tpu.memory_space<hbm>>)
    %dma_wait3A_749 = arith.constant 0 : i32
    %dma_wait3A_750 = tpu.memref_slice %arg4[%add3A_684, %dma_wait3A_749] : memref<131072x128xf32, #tpu.memory_space<hbm>> -> memref<128x128xf32, #tpu.memory_space<hbm>>
    %dma_wait3A_751 = arith.constant 0 : i32
    %dma_wait3A_752 = tpu.memref_slice %arg4[%add3A_684, %dma_wait3A_751] : memref<131072x128xf32, #tpu.memory_space<hbm>> -> memref<128x128xf32, #tpu.memory_space<hbm>>
    tpu.wait_dma2 semaphore(%arg26 : memref<!tpu.dma_semaphore, #tpu.memory_space<semaphore_mem>>) src(%arg12 : memref<128x128xf32, #tpu.memory_space<vmem>>) dst(%dma_wait3A_752 : memref<128x128xf32, #tpu.memory_space<hbm>>)
    %dma_wait3A_753 = arith.constant 0 : i32
    %dma_wait3A_754 = tpu.memref_slice %arg4[%add3A_697, %dma_wait3A_753] : memref<131072x128xf32, #tpu.memory_space<hbm>> -> memref<128x128xf32, #tpu.memory_space<hbm>>
    %dma_wait3A_755 = arith.constant 0 : i32
    %dma_wait3A_756 = tpu.memref_slice %arg4[%add3A_697, %dma_wait3A_755] : memref<131072x128xf32, #tpu.memory_space<hbm>> -> memref<128x128xf32, #tpu.memory_space<hbm>>
    tpu.wait_dma2 semaphore(%arg20 : memref<!tpu.dma_semaphore, #tpu.memory_space<semaphore_mem>>) src(%arg6 : memref<128x128xf32, #tpu.memory_space<vmem>>) dst(%dma_wait3A_756 : memref<128x128xf32, #tpu.memory_space<hbm>>)
    %dma_wait3A_757 = arith.constant 0 : i32
    %dma_wait3A_758 = tpu.memref_slice %arg4[%add3A_710, %dma_wait3A_757] : memref<131072x128xf32, #tpu.memory_space<hbm>> -> memref<128x128xf32, #tpu.memory_space<hbm>>
    %dma_wait3A_759 = arith.constant 0 : i32
    %dma_wait3A_760 = tpu.memref_slice %arg4[%add3A_710, %dma_wait3A_759] : memref<131072x128xf32, #tpu.memory_space<hbm>> -> memref<128x128xf32, #tpu.memory_space<hbm>>
    tpu.wait_dma2 semaphore(%arg21 : memref<!tpu.dma_semaphore, #tpu.memory_space<semaphore_mem>>) src(%arg7 : memref<128x128xf32, #tpu.memory_space<vmem>>) dst(%dma_wait3A_760 : memref<128x128xf32, #tpu.memory_space<hbm>>)
    %dma_wait3A_761 = arith.constant 0 : i32
    %dma_wait3A_762 = tpu.memref_slice %arg4[%add3A_723, %dma_wait3A_761] : memref<131072x128xf32, #tpu.memory_space<hbm>> -> memref<128x128xf32, #tpu.memory_space<hbm>>
    %dma_wait3A_763 = arith.constant 0 : i32
    %dma_wait3A_764 = tpu.memref_slice %arg4[%add3A_723, %dma_wait3A_763] : memref<131072x128xf32, #tpu.memory_space<hbm>> -> memref<128x128xf32, #tpu.memory_space<hbm>>
    tpu.wait_dma2 semaphore(%arg22 : memref<!tpu.dma_semaphore, #tpu.memory_space<semaphore_mem>>) src(%arg8 : memref<128x128xf32, #tpu.memory_space<vmem>>) dst(%dma_wait3A_764 : memref<128x128xf32, #tpu.memory_space<hbm>>)
    %dma_wait3A_765 = arith.constant 0 : i32
    %dma_wait3A_766 = tpu.memref_slice %arg4[%add3A_736, %dma_wait3A_765] : memref<131072x128xf32, #tpu.memory_space<hbm>> -> memref<128x128xf32, #tpu.memory_space<hbm>>
    %dma_wait3A_767 = arith.constant 0 : i32
    %dma_wait3A_768 = tpu.memref_slice %arg4[%add3A_736, %dma_wait3A_767] : memref<131072x128xf32, #tpu.memory_space<hbm>> -> memref<128x128xf32, #tpu.memory_space<hbm>>
    tpu.wait_dma2 semaphore(%arg23 : memref<!tpu.dma_semaphore, #tpu.memory_space<semaphore_mem>>) src(%arg9 : memref<128x128xf32, #tpu.memory_space<vmem>>) dst(%dma_wait3A_768 : memref<128x128xf32, #tpu.memory_space<hbm>>)
    return
  }
}

</mosaic_0001>

<sc_bundles>
// kernel: kernel.3.cloned.1.call-start
scs
__scs_entry_jumppad:
0x0: {  	(pc) =	sbr.rel $0x88, $3  }
0x1: {  	(tag) =	ssettag $0x0;
	lr =	simm.s32 $0x1  }
0x2: {  	[smem:$0x3FA0] =	sst lr;
	_ =	strace $0xD0000000  }
0x3: {  	_ = 	snop  }
0x4: {  	_ = 	snop  }
0x5: {  	_ = 	snop  }
0x6: {  	_ = 	snop  }
0x7: {  	_ = 	snop  }
__scs_overlays_trampoline_lowered:
0x8: {  	[smem:$0x3FAF] =	sst s0  }
0x9: {  	[smem:$0x3FB0] =	sst s1  }
0xa: {  	[smem:$0x3FB1] =	sst s2  }
0xb: {  	[smem:$0x3FB2] =	sst s3  }
0xc: {  	[smem:$0x3FB3] =	sst s4  }
0xd: {  	[smem:$0x3FB4] =	sst s5  }
0xe: {  	[smem:$0x3FB5] =	sst s6  }
0xf: {  	[smem:$0x3FB6] =	sst s7  }
0x10: {  	[smem:$0x3FB7] =	sst s8  }
0x11: {  	[smem:$0x3FB8] =	sst s9;
	s0 =	simm.s32 @!p0 $0x0  }
0x12: {  	s1 =	sld [smem:$0x3F9E];
	s0 =	simm.s32 @p0 $0x1  }
0x13: {  	[smem:$0x3FB9] =	sst s0;
	s0 =	simm.s32 @!p1 $0x0  }
0x14: {  	s2 =	sld [smem:$0x3F9D];
	s0 =	simm.s32 @p1 $0x1  }
0x15: {  	[smem:$0x3FBA] =	sst s0;
	s0 =	simm.s32 @!p2 $0x0  }
0x16: {  	s3 =	sld [smem:$0x3FDB];
	s0 =	simm.s32 @p2 $0x1  }
0x17: {  	s4 =	simm.s32 $0x1BF5;
	[smem:$0x3FBC] =	sst s0  }
0x18: {  	s0 =	sld [smem:$0x3F9F];
	_ =	swait.ge [sflag:s4], $0x0  }
0x19: {  	s7 =	sld [smem:$0x3FA0]  }
0x1a: {  	s8 =	sadd.s32 $0xFFFFE003, lr  }
0x1b: {  	s9 =	sadd.s32 $0xFFFFFEF7, lr;
	s5 =	simm.s32 $0xFFFFFFFF;
	p2 =	slt.u32 s8, $0xFFFFF086  }
0x1c: {  	p1 =	slt.u32 s9, $0xF7A;
	s5 =	simm.s32 @!p2 $0x0  }
0x1d: {  	s5 =	simm.s32 @p1 $0x1;
	p0 =	seq.s32 s7, s2  }
0x1e: {  	s7 =	smul.u32 @!p0 $0xF7A, s2;
	p2 =	seq.s32 @!p0 s5, $0x0  }
0x1f: {  	s9 =	smul.u32 $0xF7A, s1;
	s8 =	simm.s32 @!p0 $0x1BF5;
	p2 =	por !p2, p0  }
0x20: {  	[sflag:s8] =	ssyncset.s32 @!p0 $0xFFFFF086;
	s6 =	sadd.s32 @!p0 s3, s7;
	s7 =	simm.s32 @!p0 $0x108  }
0x21: {  	s3 =	sadd.s32 s3, s9;
	s6 =	sadd.s32 @!p0 $0x88, s6;
	s7 =	simm.s32 @p2 $0x1082  }
0x22: {  	[simem:s7], [sflag:s8] =	dma.local @!p0 [hbm:s6], $0xF7A  }
0x23: {  	s9 =	sor.u32 $0xD0000000, s2;
	s6 =	simm.s32 $0x108;
	_ =	swait.ge @!p0 [sflag:s8], $0x0  }
0x24: {  	s3 =	sadd.s32 $0x88, s3;
	s6 =	simm.s32 @!p1 $0x1082;
	[sflag:s4] =	ssyncset.s32 $0xFFFFF086  }
0x25: {  	[simem:s6], [sflag:s4] =	dma.local [hbm:s3], $0xF7A  }
0x26: {  	[smem:$0x3FA0] =	sst s1;
	(tag) =	ssettag s2;
	_ =	strace s9  }
0x27: {  	s1 =	sld [smem:$0x3FB0]  }
0x28: {  	s2 =	sld [smem:$0x3FB1]  }
0x29: {  	s4 =	sld [smem:$0x3FB3]  }
0x2a: {  	p0 =	seq.s32 s5, $0x0;
	s5 =	sld [smem:$0x3FB4]  }
0x2b: {  	s6 =	sld [smem:$0x3FB5]  }
0x2c: {  	s7 =	sld [smem:$0x3FB6]  }
0x2d: {  	s3 =	simm.s32 $0x108;
	s8 =	sld [smem:$0x3FB7]  }
0x2e: {  	s3 =	simm.s32 @!p0 $0x1082;
	s9 =	sld [smem:$0x3FB8]  }
0x2f: {  	lr =	sadd.s32 s0, s3;
	s0 =	sld [smem:$0x3FAF]  }
0x30: {  	s3 =	sld [smem:$0x3FB2]  }
0x31: {  	[smem:$0x3FBB] =	sst s10  }
0x32: {  	s10 =	sld [smem:$0x3FB9];
	_ =	sdelay $0x3  }
0x33: {  	p0 =	seq.s32 s10, $0x1;
	s10 =	sld [smem:$0x3FBB];
	_ =	sdelay $0x3  }
0x34: {  	[smem:$0x3FBB] =	sst s10  }
0x35: {  	s10 =	sld [smem:$0x3FBA];
	_ =	sdelay $0x3  }
0x36: {  	p1 =	seq.s32 s10, $0x1;
	s10 =	sld [smem:$0x3FBB];
	_ =	sdelay $0x3  }
0x37: {  	[smem:$0x3FBB] =	sst s10  }
0x38: {  	s10 =	sld [smem:$0x3FBC]  }
0x39: {  	_ = 	snop;
	(pc) =	sbr.ind lr, $3  }
0x3a: {  	_ = 	snop  }
0x3b: {  	_ = 	snop  }
0x3c: {  	p2 =	seq.s32 s10, $0x1;
	s10 =	sld [smem:$0x3FBB]  }
0x3d: {  	_ =	shalt  }
0x3e: {  	_ =	shalt  }
0x3f: {  	_ =	shalt  }
0x40: {  	_ =	shalt  }
0x41: {  	_ =	shalt  }
0x42: {  	_ =	shalt  }
0x43: {  	_ =	shalt  }
0x44: {  	_ =	shalt  }
0x45: {  	_ =	shalt  }
0x46: {  	_ =	shalt  }
0x47: {  	_ =	shalt  }
0x48: {  	_ =	shalt  }
0x49: {  	_ =	shalt  }
0x4a: {  	_ =	shalt  }
0x4b: {  	_ =	shalt  }
0x4c: {  	_ =	shalt  }
0x4d: {  	_ =	shalt  }
0x4e: {  	_ =	shalt  }
0x4f: {  	_ =	shalt  }
0x50: {  	_ =	shalt  }
0x51: {  	_ =	shalt  }
0x52: {  	_ =	shalt  }
0x53: {  	_ =	shalt  }
0x54: {  	_ =	shalt  }
0x55: {  	_ =	shalt  }
0x56: {  	_ =	shalt  }
0x57: {  	_ =	shalt  }
0x58: {  	_ =	shalt  }
0x59: {  	_ =	shalt  }
0x5a: {  	_ =	shalt  }
0x5b: {  	_ =	shalt  }
0x5c: {  	_ =	shalt  }
0x5d: {  	_ =	shalt  }
0x5e: {  	_ =	shalt  }
0x5f: {  	_ =	shalt  }
0x60: {  	_ =	shalt  }
0x61: {  	_ =	shalt  }
0x62: {  	_ =	shalt  }
0x63: {  	_ =	shalt  }
0x64: {  	_ =	shalt  }
0x65: {  	_ =	shalt  }
0x66: {  	_ =	shalt  }
0x67: {  	_ =	shalt  }
0x68: {  	_ =	shalt  }
0x69: {  	_ =	shalt  }
0x6a: {  	_ =	shalt  }
0x6b: {  	_ =	shalt  }
0x6c: {  	_ =	shalt  }
0x6d: {  	_ =	shalt  }
0x6e: {  	_ =	shalt  }
0x6f: {  	_ =	shalt  }
0x70: {  	_ =	shalt  }
0x71: {  	_ =	shalt  }
0x72: {  	_ =	shalt  }
0x73: {  	_ =	shalt  }
0x74: {  	_ =	shalt  }
0x75: {  	_ =	shalt  }
0x76: {  	_ =	shalt  }
0x77: {  	_ =	shalt  }
0x78: {  	_ =	shalt  }
0x79: {  	_ =	shalt  }
0x7a: {  	_ =	shalt  }
0x7b: {  	_ =	shalt  }
0x7c: {  	_ =	shalt  }
0x7d: {  	_ =	shalt  }
0x7e: {  	_ =	shalt  }
0x7f: {  	_ =	shalt  }
0x80: {  	_ =	shalt  }
0x81: {  	_ =	shalt  }
0x82: {  	_ =	shalt  }
0x83: {  	_ =	shalt  }
0x84: {  	_ =	shalt  }
0x85: {  	_ =	shalt  }
0x86: {  	_ =	shalt  }
0x87: {  	_ =	shalt  }
.Lfunc_end0:
.L_simem_size_0:
called_computation_lowered:
.L_overlay_start_0:
0x88: {  	s2 =	sld [smem:$0x3FD9]  }
0x89: {  	s3 =	sld [smem:$0x3FFE];
	_ =	sdelay $0x1  }
0x8a: {  	s1 =	srdreg.scid  }
0x8b: {  	s0 =	sand.u32 $0x1, s1  }
0x8c: {  	s17 =	sshll.u32 s0, $0xA;
	s2 =	sadd.s32 s3, s2  }
0x8d: {  	s2 =	sadd.s32 s2, s17  }
0x8e: {  	[smem:$0x3FC7] =	sst s2  }
0x8f: {  	_ = 	snop  }
0x90: {  	s2 =	sld [smem:$0x3FC9]  }
0x91: {  	s18 =	sld [smem:$0x3FD0];
	(tm) =	ssettm $0x1  }
0x92: {  	s4 =	sld [smem:$0x3FFB];
	_ =	sdelay $0x3  }
0x93: {  	_ =	strace s4  }
0x94: {  	s4 =	sld [smem:$0x3FFC];
	_ =	sdelay $0x3  }
0x95: {  	_ =	strace s4  }
0x96: {  	s4 =	sld [smem:$0x3FFD];
	_ =	sdelay $0x3  }
0x97: {  	_ =	strace s4  }
0x98: {  	_ =	strace $0x8FFFFFFF  }
0x99: {  	s19 =	sld [smem:$0x3FDB];
	_ =	sdelay $0x1  }
0x9a: {  	s5 =	simm.s32 $_scs_section_size  }
0x9b: {  	s6 =	simm.s32 $_size__tile_overlayer_lowered;
	s7 =	simm.s32 $_tile_overlayer_lowered  }
0x9c: {  	s22 =	simm.s32 $0x1BFF;
	s21 =	sshll.u32 s7, $0x1;
	s4 =	sadd.s32 s5, s19  }
0x9d: {  	s8 =	simm.s32 $0x0;
	s20 =	sshll.u32 s6, $0x1;
	s6 =	sadd.s32 s21, s4  }
0x9e: {  	[timem:s8], [sflag:s22] =	dma.local [hbm:s6], s20  }
0x9f: {  	_ =	swait.ge [sflag:s22], s20  }
0xa0: {  	s5 =	ssub.s32 $0x0, s20;
	[sflag:s22] =	ssyncset.done $0x0  }
0xa1: {  	[sflag:s22] =	ssyncadd.s32 s5;
	_ =	sdelay $0x1  }
0xa2: {  	s23 =	simm.s32 $0x1B8B  }
0xa3: {  	_ =	swait.ge [sflag:s23], $0x1  }
0xa4: {  	[sflag:s23] =	ssyncset.done $0x0  }
0xa5: {  	s25 =	simm.s32 $0x1B8E;
	s24 =	sld [smem:$0x3FFE];
	[sflag:s23] =	ssyncadd.s32 $0xFFFFFFFF  }
0xa6: {  	s26 =	simm.s32 $execute0_lowered;
	[smem:$0x3FD2] =	sst s25  }
0xa7: {  	s6 =	sshll.u32 s26, $0x1;
	_ =	strace $0x80000046;
	[dreg:$0x1] =	wrdreg $0xFFFFFFFF  }
0xa8: {  	s28 =	simm.s32 $_size_execute0_lowered;
	s4 =	sadd.s32 s4, s6;
	[dreg:$0x0] =	wrdreg $0x0  }
0xa9: {  	s6 =	sshll.u32 s28, $0x1;
	[dreg:$0x2] =	wrdreg s4  }
0xaa: {  	[dreg:$0x3] =	wrdreg s6  }
0xab: {  	[dreg:$0x4] =	wrdreg $0xC0  }
0xac: {  	_ =	task [dreg:s8], $0x5FFFF  }
0xad: {  	[dreg:$0x1] =	wrdreg $0xFFFFFFFF  }
0xae: {  	[dreg:$0x0] =	wrdreg $0x60  }
0xaf: {  	[dreg:$0x2] =	wrdreg s2  }
0xb0: {  	[dreg:$0x3] =	wrdreg s24  }
0xb1: {  	[dreg:$0x4] =	wrdreg s18  }
0xb2: {  	[dreg:$0x5] =	wrdreg $0x9  }
0xb3: {  	_ =	task.clear_ibuf [dreg:s8], $0x6FFFF;
	_ =	strace $0x90000046  }
0xb4: {  	s29 =	simm.s32 $0x9;
	_ =	strace $0x80000048  }
0xb5: {  	_ =	swait.ge [sflag:s29], $0x1  }
0xb6: {  	[sflag:s29] =	ssyncadd.s32 $0xFFFFFFFF  }
0xb7: {  	_ =	strace $0x90000048  }
0xb8: {  	_ =	sfence  }
0xb9: {  	s30 =	sld [smem:$0x0];
	_ =	sdelay $0x2  }
0xba: {  	s31 =	sshll.u32 s1, $0xD;
	s1 =	sshrl.u32 s1, $0x2  }
0xbb: {  	s3 =	sand.u32 $0x4000, s31;
	s1 =	sadd.s32 s1, s30  }
0xbc: {  	s0 =	sor.u32 s3, s0;
	s1 =	sshll.u32 s1, $0x11  }
0xbd: {  	s0 =	sor.u32 s1, s0  }
0xbe: {  	s0 =	sadd.s32 $0x8F2B, s0  }
0xbf: {  	[sflag:s0] =	ssyncadd.remote.s32 $0x1  }
0xc0: {  	_ =	sfence.sel $0xFFFF  }
0xc1: {  	[dreg:$0x0] =	wrdreg $0xFFFFFFFF;
	(pc) =	sbr.abs _section_cstart, $3  }
0xc2: {  	[dreg:$0x1] =	wrdreg $0xFFFFFFFF  }
0xc3: {  	_ =	task.clear_ibuf [dreg:s8], $0x2FFFF;
	_ =	strace $0x9FFFFFFF  }
0xc4: {  	(tm) =	ssettm $0x7FFFFFFF  }
0xc5: {  	_ =	shalt  }
tec
execute0_lowered:
.L_overlay_start_1:
0x0: {  	(tag) =	ssettag $0x1  }
0x1: {  	s0 =	srdreg.scid  }
0x2: {  	s26 =	stileid.u32;
	s1 =	sand.u32 $0x1, s0  }
0x3: {  	s3 =	rddreg [dreg:$0x0];
	s2 =	sshll.u32 s26, $0xD;
	s4 =	sshll.u32 s1, $0xC  }
0x4: {  	s19 =	rddreg [dreg:$0x1];
	s4 =	sor.u32 s4, s2  }
0x5: {  	s5 =	rddreg [dreg:$0x2];
	s6 =	sshrl.u32 s4, $0x3  }
0x6: {  	s2 =	simm.s32 $0x0;
	s4 =	sshll.u32 s4, $0x4;
	s0 =	sadd.s32 s6, s19  }
0x7: {  	[smem:$0x7FF] =	sst s2;
	s30 =	sadd.s32 s5, s4;
	s0 =	sadd.s32 $0x400, s0  }
0x8: {  	_ =	strace $0x80000047;
	s20 =	sadd.s32 $0x800, s30;
	[dreg:$0x4] =	wrdreg s0  }
0x9: {  	s21 =	sadd.s32 $0x1000, s30;
	[dreg:$0x5] =	wrdreg s20  }
0xa: {  	s22 =	sadd.s32 $0x1800, s30;
	[dreg:$0x6] =	wrdreg s21  }
0xb: {  	s23 =	sadd.s32 $0x2000, s30;
	[dreg:$0x7] =	wrdreg s22  }
0xc: {  	s24 =	sadd.s32 $0x2800, s30;
	[dreg:$0x8] =	wrdreg s23  }
0xd: {  	s25 =	sadd.s32 $0x3000, s30;
	[dreg:$0x9] =	wrdreg s24  }
0xe: {  	s4 =	sadd.s32 $0x3800, s30;
	[dreg:$0xa] =	wrdreg s25  }
0xf: {  	s5 =	sadd.s32 $0x4000, s30;
	[dreg:$0xb] =	wrdreg s4  }
0x10: {  	s6 =	sadd.s32 $0x4800, s30;
	[dreg:$0xc] =	wrdreg s5  }
0x11: {  	s7 =	sadd.s32 $0x5000, s30;
	[dreg:$0xd] =	wrdreg s6  }
0x12: {  	s8 =	sadd.s32 $0x5800, s30;
	[dreg:$0xe] =	wrdreg s7  }
0x13: {  	s9 =	sadd.s32 $0x6000, s30;
	[dreg:$0xf] =	wrdreg s8  }
0x14: {  	s10 =	sadd.s32 $0x6800, s30;
	[dreg:$0x10] =	wrdreg s9  }
0x15: {  	s11 =	sadd.s32 $0x7000, s30;
	[dreg:$0x11] =	wrdreg s10  }
0x16: {  	s12 =	sadd.s32 $0x7800, s30;
	[dreg:$0x12] =	wrdreg s11  }
0x17: {  	s13 =	sadd.s32 $0x8000, s30;
	[dreg:$0x13] =	wrdreg s12  }
0x18: {  	s14 =	sadd.s32 $0x8800, s30;
	[dreg:$0x14] =	wrdreg s13  }
0x19: {  	s15 =	sadd.s32 $0x9000, s30;
	[dreg:$0x15] =	wrdreg s14  }
0x1a: {  	s16 =	sadd.s32 $0x9800, s30;
	[dreg:$0x16] =	wrdreg s15  }
0x1b: {  	s17 =	sadd.s32 $0xA000, s30;
	[dreg:$0x17] =	wrdreg s16  }
0x1c: {  	s18 =	sadd.s32 $0xA800, s30;
	[dreg:$0x18] =	wrdreg s17  }
0x1d: {  	s19 =	sadd.s32 $0xB000, s30;
	[dreg:$0x19] =	wrdreg s18  }
0x1e: {  	[dreg:$0x1a] =	wrdreg s19;
	s20 =	sadd.s32 $0xB800, s30  }
0x1f: {  	s21 =	sadd.s32 $0xC000, s30;
	[dreg:$0x1b] =	wrdreg s20  }
0x20: {  	s22 =	sadd.s32 $0xC800, s30;
	[dreg:$0x1c] =	wrdreg s21  }
0x21: {  	s23 =	sadd.s32 $0xD000, s30;
	[dreg:$0x1d] =	wrdreg s22  }
0x22: {  	s24 =	sadd.s32 $0xD800, s30;
	[dreg:$0x1e] =	wrdreg s23  }
0x23: {  	s25 =	sadd.s32 $0xE000, s30;
	[dreg:$0x1f] =	wrdreg s24  }
0x24: {  	s4 =	sadd.s32 $0xE800, s30;
	[smem:$0x7DF] =	sst s25  }
0x25: {  	s5 =	sadd.s32 $0xF000, s30;
	[smem:$0x7E0] =	sst s4  }
0x26: {  	s6 =	sadd.s32 $0xF800, s30;
	[smem:$0x7E1] =	sst s5  }
0x27: {  	s7 =	simm.s32 $0x100;
	[smem:$0x7E2] =	sst s6  }
0x28: {  	s8 =	simm.s32 $0x180;
	[smem:$0x7E3] =	sst s7  }
0x29: {  	s9 =	simm.s32 $0x200;
	[smem:$0x7E4] =	sst s8  }
0x2a: {  	s10 =	simm.s32 $0x280;
	[smem:$0x7E5] =	sst s9  }
0x2b: {  	s31 =	simm.s32 $0xF;
	s11 =	simm.s32 $0x300;
	[smem:$0x7E6] =	sst s10  }
0x2c: {  	p0 =	por $0x0, $0x0;
	s13 =	simm.s32 $0x380;
	[smem:$0x7E7] =	sst s11  }
0x2d: {  	s29 =	simm.s32 $0xF00;
	s14 =	simm.s32 $0x400;
	[smem:$0x7E8] =	sst s13  }
0x2e: {  	s28 =	simm.s32 $0xF80;
	s15 =	simm.s32 $0x480;
	[smem:$0x7E9] =	sst s14  }
0x2f: {  	s1 =	ssub.s32 $0x2, s1;
	s16 =	simm.s32 $0x500;
	[smem:$0x7EA] =	sst s15  }
0x30: {  	s12 =	sshrl.u32 s1, $0x1;
	s17 =	simm.s32 $0x580;
	[smem:$0x7EB] =	sst s16  }
0x31: {  	s18 =	simm.s32 $0x600;
	s19 =	simm.s32 $0x680;
	[smem:$0x7EC] =	sst s17  }
0x32: {  	s1 =	ssub.s32 s1, s12;
	s12 =	simm.s32 $0x80;
	[smem:$0x7ED] =	sst s18  }
0x33: {  	s8 =	simm.s32 $0x1000;
	s7 =	simm.s32 $0x5000;
	[smem:$0x7EE] =	sst s19  }
0x34: {  	s5 =	simm.s32 $0x9000;
	s20 =	simm.s32 $0x700;
	s0 =	rddreg [dreg:$0x4]  }
0x35: {  	s4 =	simm.s32 $0xD000;
	s21 =	simm.s32 $0x780;
	[smem:$0x7EF] =	sst s20  }
0x36: {  	s19 =	simm.s32 $0x11000;
	s22 =	simm.s32 $0x800;
	[smem:$0x7F0] =	sst s21  }
0x37: {  	s17 =	simm.s32 $0x15000;
	s23 =	simm.s32 $0x880;
	[smem:$0x7F1] =	sst s22  }
0x38: {  	s14 =	simm.s32 $0x19000;
	s24 =	simm.s32 $0x900;
	[smem:$0x7F2] =	sst s23  }
0x39: {  	s13 =	simm.s32 $0x1;
	s25 =	simm.s32 $0x980;
	[smem:$0x7F3] =	sst s24  }
0x3a: {  	s6 =	simm.s32 $0x8;
	s9 =	simm.s32 $0xA00;
	[smem:$0x7F4] =	sst s25  }
0x3b: {  	s15 =	simm.s32 $0x2;
	s10 =	simm.s32 $0xA80;
	[smem:$0x7F5] =	sst s9  }
0x3c: {  	s11 =	simm.s32 $0xB00;
	s16 =	simm.s32 $0x3;
	[smem:$0x7F6] =	sst s10  }
0x3d: {  	s18 =	simm.s32 $0xB80;
	s1 =	smax.u32 s1, $0x1;
	[smem:$0x7F7] =	sst s11  }
0x3e: {  	s9 =	simm.s32 $0x9;
	s10 =	simm.s32 $0xA;
	[smem:$0x7F8] =	sst s18  }
0x3f: {  	s20 =	simm.s32 $0xC00;
	s18 =	simm.s32 $0x4;
	s21 =	simm.s32 $0xC80  }
0x40: {  	s11 =	simm.s32 $0xB;
	[smem:$0x7F9] =	sst s20;
	p1 =	sne.s32 s1, $0x1  }
.Ltmp0:
0x41: {  	s22 =	simm.s32 $0xD00;
	[smem:$0x7FA] =	sst s21;
	(pc) =	sbr.rel @!p1 .LBB2_1-.Ltmp0, $4  }
0x42: {  	s23 =	simm.s32 $0x5;
	s24 =	simm.s32 $0xD80;
	[smem:$0x7FB] =	sst s22  }
0x43: {  	s25 =	simm.s32 $0xE00;
	s20 =	simm.s32 $0xC;
	[smem:$0x7FC] =	sst s24  }
0x44: {  	[smem:$0x7FD] =	sst s25;
	s24 =	simm.s32 $0x6;
	s1 =	sadd.s32 $0xFFFFFFFF, s1  }
0x45: {  	s22 =	simm.s32 $0xD;
	s25 =	simm.s32 $0x7;
	s21 =	simm.s32 $0xE  }
0x46: {  	[tilespmem:s2], [sflag:$0xF] =	stream.linear.gather [hbm4b:s0+s2], $0x1000, $0x38;
	[tilespmem:$0x1D000] =	vst v63  }
0x47: {  	_ =	swait.ge [sflag:s31], $0x1000  }
0x48: {  	[sflag:s31] =	ssyncset.done $0x0  }
0x49: {  	[sflag:s31] =	ssyncadd.s32 $0xFFFFF000  }
0x4a: {  	[tilespmem:s8], [sflag:$0x1] =	stream.indirect.gather [hbm4b:s3+s12], $0x80, s2, s12, $0xb8;
	[tilespmem:$0x1D000] =	vst v63  }
0x4b: {  	s0 =	sld [smem:$0x7E3]  }
0x4c: {  	[tilespmem:s7], [sflag:$0x2] =	stream.indirect.gather [hbm4b:s3+s12], $0x80, s12, s12, $0xb8;
	[tilespmem:$0x1D000] =	vst v63  }
0x4d: {  	s26 =	smov.u32 s1;
	s1 =	sld [smem:$0x7E4]  }
0x4e: {  	[tilespmem:s5], [sflag:$0x3] =	stream.indirect.gather [hbm4b:s3+s12], $0x80, s0, s12, $0xb8;
	[tilespmem:$0x1D000] =	vst v63  }
0x4f: {  	s0 =	sld [smem:$0x7E5]  }
0x50: {  	[tilespmem:s4], [sflag:$0x4] =	stream.indirect.gather [hbm4b:s3+s12], $0x80, s1, s12, $0xb8;
	[tilespmem:$0x1D000] =	vst v63  }
0x51: {  	s1 =	sld [smem:$0x7E6]  }
0x52: {  	[tilespmem:s19], [sflag:$0x5] =	stream.indirect.gather [hbm4b:s3+s12], $0x80, s0, s12, $0xb8;
	[tilespmem:$0x1D000] =	vst v63  }
0x53: {  	s0 =	sld [smem:$0x7E7]  }
0x54: {  	[tilespmem:s17], [sflag:$0x6] =	stream.indirect.gather [hbm4b:s3+s12], $0x80, s1, s12, $0xb8;
	[tilespmem:$0x1D000] =	vst v63  }
0x55: {  	_ = 	snop  }
0x56: {  	[tilespmem:s14], [sflag:$0x7] =	stream.indirect.gather [hbm4b:s3+s12], $0x80, s0, s12, $0xb8;
	[tilespmem:$0x1D000] =	vst v63  }
0x57: {  	_ =	swait.ge [sflag:s13], $0x4000  }
0x58: {  	[sflag:s13] =	ssyncset.done $0x0  }
0x59: {  	[sflag:s13] =	ssyncadd.s32 $0xFFFFC000  }
0x5a: {  	[hbm4b:s30+s2] =	stream.linear.scatter [tilespmem:s8], [sflag:$0x8], $0x4000, $0x38;
	[tilespmem:$0x1D000] =	vst v63  }
0x5b: {  	_ =	swait.ge [sflag:s6], $0x4000  }
0x5c: {  	s1 =	sld [smem:$0x7E8]  }
0x5d: {  	[sflag:s6] =	ssyncset.done $0x0  }
0x5e: {  	[sflag:s6] =	ssyncadd.s32 $0xFFFFC000  }
0x5f: {  	[tilespmem:s8], [sflag:$0x1] =	stream.indirect.gather [hbm4b:s3+s12], $0x80, s1, s12, $0xb8;
	[tilespmem:$0x1D000] =	vst v63  }
0x60: {  	_ =	swait.ge [sflag:s15], $0x4000  }
0x61: {  	[sflag:s15] =	ssyncset.done $0x0  }
0x62: {  	s1 =	rddreg [dreg:$0x5];
	[sflag:s15] =	ssyncadd.s32 $0xFFFFC000  }
0x63: {  	[hbm4b:s1+s2] =	stream.linear.scatter [tilespmem:s7], [sflag:$0x9], $0x4000, $0x38;
	[tilespmem:$0x1D000] =	vst v63  }
0x64: {  	_ =	swait.ge [sflag:s9], $0x4000  }
0x65: {  	s1 =	sld [smem:$0x7E9]  }
0x66: {  	[sflag:s9] =	ssyncset.done $0x0  }
0x67: {  	[sflag:s9] =	ssyncadd.s32 $0xFFFFC000  }
0x68: {  	[tilespmem:s7], [sflag:$0x2] =	stream.indirect.gather [hbm4b:s3+s12], $0x80, s1, s12, $0xb8;
	[tilespmem:$0x1D000] =	vst v63  }
0x69: {  	_ =	swait.ge [sflag:s16], $0x4000  }
0x6a: {  	[sflag:s16] =	ssyncset.done $0x0  }
0x6b: {  	s1 =	rddreg [dreg:$0x6];
	[sflag:s16] =	ssyncadd.s32 $0xFFFFC000  }
0x6c: {  	[hbm4b:s1+s2] =	stream.linear.scatter [tilespmem:s5], [sflag:$0xA], $0x4000, $0x38;
	[tilespmem:$0x1D000] =	vst v63  }
0x6d: {  	_ =	swait.ge [sflag:s10], $0x4000  }
0x6e: {  	s1 =	sld [smem:$0x7EA]  }
0x6f: {  	[sflag:s10] =	ssyncset.done $0x0  }
0x70: {  	[sflag:s10] =	ssyncadd.s32 $0xFFFFC000  }
0x71: {  	[tilespmem:s5], [sflag:$0x3] =	stream.indirect.gather [hbm4b:s3+s12], $0x80, s1, s12, $0xb8;
	[tilespmem:$0x1D000] =	vst v63  }
0x72: {  	_ =	swait.ge [sflag:s18], $0x4000  }
0x73: {  	[sflag:s18] =	ssyncset.done $0x0  }
0x74: {  	s1 =	rddreg [dreg:$0x7];
	[sflag:s18] =	ssyncadd.s32 $0xFFFFC000  }
0x75: {  	[hbm4b:s1+s2] =	stream.linear.scatter [tilespmem:s4], [sflag:$0xB], $0x4000, $0x38;
	[tilespmem:$0x1D000] =	vst v63  }
0x76: {  	_ =	swait.ge [sflag:s11], $0x4000  }
0x77: {  	s1 =	sld [smem:$0x7EB]  }
0x78: {  	[sflag:s11] =	ssyncset.done $0x0  }
0x79: {  	[sflag:s11] =	ssyncadd.s32 $0xFFFFC000  }
0x7a: {  	[tilespmem:s4], [sflag:$0x4] =	stream.indirect.gather [hbm4b:s3+s12], $0x80, s1, s12, $0xb8;
	[tilespmem:$0x1D000] =	vst v63  }
0x7b: {  	_ =	swait.ge [sflag:s23], $0x4000  }
0x7c: {  	[sflag:s23] =	ssyncset.done $0x0  }
0x7d: {  	s1 =	rddreg [dreg:$0x8];
	[sflag:s23] =	ssyncadd.s32 $0xFFFFC000  }
0x7e: {  	[hbm4b:s1+s2] =	stream.linear.scatter [tilespmem:s19], [sflag:$0xC], $0x4000, $0x38;
	[tilespmem:$0x1D000] =	vst v63  }
0x7f: {  	_ =	swait.ge [sflag:s20], $0x4000  }
0x80: {  	s1 =	sld [smem:$0x7EC]  }
0x81: {  	[sflag:s20] =	ssyncset.done $0x0  }
0x82: {  	[sflag:s20] =	ssyncadd.s32 $0xFFFFC000  }
0x83: {  	[tilespmem:s19], [sflag:$0x5] =	stream.indirect.gather [hbm4b:s3+s12], $0x80, s1, s12, $0xb8;
	[tilespmem:$0x1D000] =	vst v63  }
0x84: {  	_ =	swait.ge [sflag:s24], $0x4000  }
0x85: {  	[sflag:s24] =	ssyncset.done $0x0  }
0x86: {  	s1 =	rddreg [dreg:$0x9];
	[sflag:s24] =	ssyncadd.s32 $0xFFFFC000  }
0x87: {  	[hbm4b:s1+s2] =	stream.linear.scatter [tilespmem:s17], [sflag:$0xD], $0x4000, $0x38;
	[tilespmem:$0x1D000] =	vst v63  }
0x88: {  	_ =	swait.ge [sflag:s22], $0x4000  }
0x89: {  	s1 =	sld [smem:$0x7ED]  }
0x8a: {  	[sflag:s22] =	ssyncset.done $0x0  }
0x8b: {  	[sflag:s22] =	ssyncadd.s32 $0xFFFFC000  }
0x8c: {  	[tilespmem:s17], [sflag:$0x6] =	stream.indirect.gather [hbm4b:s3+s12], $0x80, s1, s12, $0xb8;
	[tilespmem:$0x1D000] =	vst v63  }
0x8d: {  	_ =	swait.ge [sflag:s25], $0x4000  }
0x8e: {  	[sflag:s25] =	ssyncset.done $0x0  }
0x8f: {  	s1 =	rddreg [dreg:$0xa];
	[sflag:s25] =	ssyncadd.s32 $0xFFFFC000  }
0x90: {  	[hbm4b:s1+s2] =	stream.linear.scatter [tilespmem:s14], [sflag:$0xE], $0x4000, $0x38;
	[tilespmem:$0x1D000] =	vst v63  }
0x91: {  	_ =	swait.ge [sflag:s21], $0x4000  }
0x92: {  	s1 =	sld [smem:$0x7EE]  }
0x93: {  	[sflag:s21] =	ssyncset.done $0x0  }
0x94: {  	[sflag:s21] =	ssyncadd.s32 $0xFFFFC000  }
0x95: {  	[tilespmem:s14], [sflag:$0x7] =	stream.indirect.gather [hbm4b:s3+s12], $0x80, s1, s12, $0xb8;
	[tilespmem:$0x1D000] =	vst v63  }
0x96: {  	_ =	swait.ge [sflag:s13], $0x4000  }
0x97: {  	[sflag:s13] =	ssyncset.done $0x0  }
0x98: {  	s1 =	rddreg [dreg:$0xb];
	[sflag:s13] =	ssyncadd.s32 $0xFFFFC000  }
0x99: {  	[hbm4b:s1+s2] =	stream.linear.scatter [tilespmem:s8], [sflag:$0x8], $0x4000, $0x38;
	[tilespmem:$0x1D000] =	vst v63  }
0x9a: {  	_ =	swait.ge [sflag:s6], $0x4000  }
0x9b: {  	s1 =	sld [smem:$0x7EF]  }
0x9c: {  	[sflag:s6] =	ssyncset.done $0x0  }
0x9d: {  	[sflag:s6] =	ssyncadd.s32 $0xFFFFC000  }
0x9e: {  	[tilespmem:s8], [sflag:$0x1] =	stream.indirect.gather [hbm4b:s3+s12], $0x80, s1, s12, $0xb8;
	[tilespmem:$0x1D000] =	vst v63  }
0x9f: {  	_ =	swait.ge [sflag:s15], $0x4000  }
0xa0: {  	[sflag:s15] =	ssyncset.done $0x0  }
0xa1: {  	s1 =	rddreg [dreg:$0xc];
	[sflag:s15] =	ssyncadd.s32 $0xFFFFC000  }
0xa2: {  	[hbm4b:s1+s2] =	stream.linear.scatter [tilespmem:s7], [sflag:$0x9], $0x4000, $0x38;
	[tilespmem:$0x1D000] =	vst v63  }
0xa3: {  	_ =	swait.ge [sflag:s9], $0x4000  }
0xa4: {  	s1 =	sld [smem:$0x7F0]  }
0xa5: {  	[sflag:s9] =	ssyncset.done $0x0  }
0xa6: {  	[sflag:s9] =	ssyncadd.s32 $0xFFFFC000  }
0xa7: {  	[tilespmem:s7], [sflag:$0x2] =	stream.indirect.gather [hbm4b:s3+s12], $0x80, s1, s12, $0xb8;
	[tilespmem:$0x1D000] =	vst v63  }
0xa8: {  	_ =	swait.ge [sflag:s16], $0x4000  }
0xa9: {  	[sflag:s16] =	ssyncset.done $0x0  }
0xaa: {  	s1 =	rddreg [dreg:$0xd];
	[sflag:s16] =	ssyncadd.s32 $0xFFFFC000  }
0xab: {  	[hbm4b:s1+s2] =	stream.linear.scatter [tilespmem:s5], [sflag:$0xA], $0x4000, $0x38;
	[tilespmem:$0x1D000] =	vst v63  }
0xac: {  	_ =	swait.ge [sflag:s10], $0x4000  }
0xad: {  	s1 =	sld [smem:$0x7F1]  }
0xae: {  	[sflag:s10] =	ssyncset.done $0x0  }
0xaf: {  	[sflag:s10] =	ssyncadd.s32 $0xFFFFC000  }
0xb0: {  	[tilespmem:s5], [sflag:$0x3] =	stream.indirect.gather [hbm4b:s3+s12], $0x80, s1, s12, $0xb8;
	[tilespmem:$0x1D000] =	vst v63  }
0xb1: {  	_ =	swait.ge [sflag:s18], $0x4000  }
0xb2: {  	[sflag:s18] =	ssyncset.done $0x0  }
0xb3: {  	s1 =	rddreg [dreg:$0xe];
	[sflag:s18] =	ssyncadd.s32 $0xFFFFC000  }
0xb4: {  	[hbm4b:s1+s2] =	stream.linear.scatter [tilespmem:s4], [sflag:$0xB], $0x4000, $0x38;
	[tilespmem:$0x1D000] =	vst v63  }
0xb5: {  	_ =	swait.ge [sflag:s11], $0x4000  }
0xb6: {  	s1 =	sld [smem:$0x7F2]  }
0xb7: {  	[sflag:s11] =	ssyncset.done $0x0  }
0xb8: {  	[sflag:s11] =	ssyncadd.s32 $0xFFFFC000  }
0xb9: {  	[tilespmem:s4], [sflag:$0x4] =	stream.indirect.gather [hbm4b:s3+s12], $0x80, s1, s12, $0xb8;
	[tilespmem:$0x1D000] =	vst v63  }
0xba: {  	_ =	swait.ge [sflag:s23], $0x4000  }
0xbb: {  	[sflag:s23] =	ssyncset.done $0x0  }
0xbc: {  	s1 =	rddreg [dreg:$0xf];
	[sflag:s23] =	ssyncadd.s32 $0xFFFFC000  }
0xbd: {  	[hbm4b:s1+s2] =	stream.linear.scatter [tilespmem:s19], [sflag:$0xC], $0x4000, $0x38;
	[tilespmem:$0x1D000] =	vst v63  }
0xbe: {  	_ =	swait.ge [sflag:s20], $0x4000  }
0xbf: {  	s1 =	sld [smem:$0x7F3]  }
0xc0: {  	[sflag:s20] =	ssyncset.done $0x0  }
0xc1: {  	[sflag:s20] =	ssyncadd.s32 $0xFFFFC000  }
0xc2: {  	[tilespmem:s19], [sflag:$0x5] =	stream.indirect.gather [hbm4b:s3+s12], $0x80, s1, s12, $0xb8;
	[tilespmem:$0x1D000] =	vst v63  }
0xc3: {  	_ =	swait.ge [sflag:s24], $0x4000  }
0xc4: {  	[sflag:s24] =	ssyncset.done $0x0  }
0xc5: {  	s1 =	rddreg [dreg:$0x10];
	[sflag:s24] =	ssyncadd.s32 $0xFFFFC000  }
0xc6: {  	[hbm4b:s1+s2] =	stream.linear.scatter [tilespmem:s17], [sflag:$0xD], $0x4000, $0x38;
	[tilespmem:$0x1D000] =	vst v63  }
0xc7: {  	_ =	swait.ge [sflag:s22], $0x4000  }
0xc8: {  	s1 =	sld [smem:$0x7F4]  }
0xc9: {  	[sflag:s22] =	ssyncset.done $0x0  }
0xca: {  	[sflag:s22] =	ssyncadd.s32 $0xFFFFC000  }
0xcb: {  	[tilespmem:s17], [sflag:$0x6] =	stream.indirect.gather [hbm4b:s3+s12], $0x80, s1, s12, $0xb8;
	[tilespmem:$0x1D000] =	vst v63  }
0xcc: {  	_ =	swait.ge [sflag:s25], $0x4000  }
0xcd: {  	[sflag:s25] =	ssyncset.done $0x0  }
0xce: {  	s1 =	rddreg [dreg:$0x11];
	[sflag:s25] =	ssyncadd.s32 $0xFFFFC000  }
0xcf: {  	[hbm4b:s1+s2] =	stream.linear.scatter [tilespmem:s14], [sflag:$0xE], $0x4000, $0x38;
	[tilespmem:$0x1D000] =	vst v63  }
0xd0: {  	_ =	swait.ge [sflag:s21], $0x4000  }
0xd1: {  	s1 =	sld [smem:$0x7F5]  }
0xd2: {  	[sflag:s21] =	ssyncset.done $0x0  }
0xd3: {  	[sflag:s21] =	ssyncadd.s32 $0xFFFFC000  }
0xd4: {  	[tilespmem:s14], [sflag:$0x7] =	stream.indirect.gather [hbm4b:s3+s12], $0x80, s1, s12, $0xb8;
	[tilespmem:$0x1D000] =	vst v63  }
0xd5: {  	_ =	swait.ge [sflag:s13], $0x4000  }
0xd6: {  	[sflag:s13] =	ssyncset.done $0x0  }
0xd7: {  	s1 =	rddreg [dreg:$0x12];
	[sflag:s13] =	ssyncadd.s32 $0xFFFFC000  }
0xd8: {  	[hbm4b:s1+s2] =	stream.linear.scatter [tilespmem:s8], [sflag:$0x8], $0x4000, $0x38;
	[tilespmem:$0x1D000] =	vst v63  }
0xd9: {  	_ =	swait.ge [sflag:s6], $0x4000  }
0xda: {  	s1 =	sld [smem:$0x7F6]  }
0xdb: {  	[sflag:s6] =	ssyncset.done $0x0  }
0xdc: {  	[sflag:s6] =	ssyncadd.s32 $0xFFFFC000  }
0xdd: {  	[tilespmem:s8], [sflag:$0x1] =	stream.indirect.gather [hbm4b:s3+s12], $0x80, s1, s12, $0xb8;
	[tilespmem:$0x1D000] =	vst v63  }
0xde: {  	_ =	swait.ge [sflag:s15], $0x4000  }
0xdf: {  	[sflag:s15] =	ssyncset.done $0x0  }
0xe0: {  	s1 =	rddreg [dreg:$0x13];
	[sflag:s15] =	ssyncadd.s32 $0xFFFFC000  }
0xe1: {  	[hbm4b:s1+s2] =	stream.linear.scatter [tilespmem:s7], [sflag:$0x9], $0x4000, $0x38;
	[tilespmem:$0x1D000] =	vst v63  }
0xe2: {  	_ =	swait.ge [sflag:s9], $0x4000  }
0xe3: {  	s1 =	sld [smem:$0x7F7]  }
0xe4: {  	[sflag:s9] =	ssyncset.done $0x0  }
0xe5: {  	[sflag:s9] =	ssyncadd.s32 $0xFFFFC000  }
0xe6: {  	[tilespmem:s7], [sflag:$0x2] =	stream.indirect.gather [hbm4b:s3+s12], $0x80, s1, s12, $0xb8;
	[tilespmem:$0x1D000] =	vst v63  }
0xe7: {  	_ =	swait.ge [sflag:s16], $0x4000  }
0xe8: {  	[sflag:s16] =	ssyncset.done $0x0  }
0xe9: {  	s1 =	rddreg [dreg:$0x14];
	[sflag:s16] =	ssyncadd.s32 $0xFFFFC000  }
0xea: {  	[hbm4b:s1+s2] =	stream.linear.scatter [tilespmem:s5], [sflag:$0xA], $0x4000, $0x38;
	[tilespmem:$0x1D000] =	vst v63  }
0xeb: {  	_ =	swait.ge [sflag:s10], $0x4000  }
0xec: {  	s1 =	sld [smem:$0x7F8]  }
0xed: {  	[sflag:s10] =	ssyncset.done $0x0  }
0xee: {  	[sflag:s10] =	ssyncadd.s32 $0xFFFFC000  }
0xef: {  	[tilespmem:s5], [sflag:$0x3] =	stream.indirect.gather [hbm4b:s3+s12], $0x80, s1, s12, $0xb8;
	[tilespmem:$0x1D000] =	vst v63  }
0xf0: {  	_ =	swait.ge [sflag:s18], $0x4000  }
0xf1: {  	[sflag:s18] =	ssyncset.done $0x0  }
0xf2: {  	s1 =	rddreg [dreg:$0x15];
	[sflag:s18] =	ssyncadd.s32 $0xFFFFC000  }
0xf3: {  	[hbm4b:s1+s2] =	stream.linear.scatter [tilespmem:s4], [sflag:$0xB], $0x4000, $0x38;
	[tilespmem:$0x1D000] =	vst v63  }
0xf4: {  	_ =	swait.ge [sflag:s11], $0x4000  }
0xf5: {  	s1 =	sld [smem:$0x7F9]  }
0xf6: {  	[sflag:s11] =	ssyncset.done $0x0  }
0xf7: {  	[sflag:s11] =	ssyncadd.s32 $0xFFFFC000  }
0xf8: {  	[tilespmem:s4], [sflag:$0x4] =	stream.indirect.gather [hbm4b:s3+s12], $0x80, s1, s12, $0xb8;
	[tilespmem:$0x1D000] =	vst v63  }
0xf9: {  	_ =	swait.ge [sflag:s23], $0x4000  }
0xfa: {  	[sflag:s23] =	ssyncset.done $0x0  }
0xfb: {  	s1 =	rddreg [dreg:$0x16];
	[sflag:s23] =	ssyncadd.s32 $0xFFFFC000  }
0xfc: {  	[hbm4b:s1+s2] =	stream.linear.scatter [tilespmem:s19], [sflag:$0xC], $0x4000, $0x38;
	[tilespmem:$0x1D000] =	vst v63  }
0xfd: {  	_ =	swait.ge [sflag:s20], $0x4000  }
0xfe: {  	s1 =	sld [smem:$0x7FA]  }
0xff: {  	[sflag:s20] =	ssyncset.done $0x0  }
0x100: {  	[sflag:s20] =	ssyncadd.s32 $0xFFFFC000  }
0x101: {  	[tilespmem:s19], [sflag:$0x5] =	stream.indirect.gather [hbm4b:s3+s12], $0x80, s1, s12, $0xb8;
	[tilespmem:$0x1D000] =	vst v63  }
0x102: {  	_ =	swait.ge [sflag:s24], $0x4000  }
0x103: {  	[sflag:s24] =	ssyncset.done $0x0  }
0x104: {  	s1 =	rddreg [dreg:$0x17];
	[sflag:s24] =	ssyncadd.s32 $0xFFFFC000  }
0x105: {  	[hbm4b:s1+s2] =	stream.linear.scatter [tilespmem:s17], [sflag:$0xD], $0x4000, $0x38;
	[tilespmem:$0x1D000] =	vst v63  }
0x106: {  	_ =	swait.ge [sflag:s22], $0x4000  }
0x107: {  	s1 =	sld [smem:$0x7FB]  }
0x108: {  	[sflag:s22] =	ssyncset.done $0x0  }
0x109: {  	[sflag:s22] =	ssyncadd.s32 $0xFFFFC000  }
0x10a: {  	[tilespmem:s17], [sflag:$0x6] =	stream.indirect.gather [hbm4b:s3+s12], $0x80, s1, s12, $0xb8;
	[tilespmem:$0x1D000] =	vst v63  }
0x10b: {  	_ =	swait.ge [sflag:s25], $0x4000  }
0x10c: {  	[sflag:s25] =	ssyncset.done $0x0  }
0x10d: {  	s1 =	rddreg [dreg:$0x18];
	[sflag:s25] =	ssyncadd.s32 $0xFFFFC000  }
0x10e: {  	[hbm4b:s1+s2] =	stream.linear.scatter [tilespmem:s14], [sflag:$0xE], $0x4000, $0x38;
	[tilespmem:$0x1D000] =	vst v63  }
0x10f: {  	_ =	swait.ge [sflag:s21], $0x4000  }
0x110: {  	s1 =	sld [smem:$0x7FC]  }
0x111: {  	[sflag:s21] =	ssyncset.done $0x0  }
0x112: {  	[sflag:s21] =	ssyncadd.s32 $0xFFFFC000  }
0x113: {  	[tilespmem:s14], [sflag:$0x7] =	stream.indirect.gather [hbm4b:s3+s12], $0x80, s1, s12, $0xb8;
	[tilespmem:$0x1D000] =	vst v63  }
0x114: {  	_ =	swait.ge [sflag:s13], $0x4000  }
0x115: {  	[sflag:s13] =	ssyncset.done $0x0  }
0x116: {  	s1 =	rddreg [dreg:$0x19];
	[sflag:s13] =	ssyncadd.s32 $0xFFFFC000  }
0x117: {  	[hbm4b:s1+s2] =	stream.linear.scatter [tilespmem:s8], [sflag:$0x8], $0x4000, $0x38;
	[tilespmem:$0x1D000] =	vst v63  }
0x118: {  	_ =	swait.ge [sflag:s6], $0x4000  }
0x119: {  	s1 =	sld [smem:$0x7FD]  }
0x11a: {  	[sflag:s6] =	ssyncset.done $0x0  }
0x11b: {  	[sflag:s6] =	ssyncadd.s32 $0xFFFFC000  }
0x11c: {  	[tilespmem:s8], [sflag:$0x1] =	stream.indirect.gather [hbm4b:s3+s12], $0x80, s1, s12, $0xb8;
	[tilespmem:$0x1D000] =	vst v63  }
0x11d: {  	_ =	swait.ge [sflag:s15], $0x4000  }
0x11e: {  	[sflag:s15] =	ssyncset.done $0x0  }
0x11f: {  	s1 =	rddreg [dreg:$0x1a];
	[sflag:s15] =	ssyncadd.s32 $0xFFFFC000  }
0x120: {  	[hbm4b:s1+s2] =	stream.linear.scatter [tilespmem:s7], [sflag:$0x9], $0x4000, $0x38;
	[tilespmem:$0x1D000] =	vst v63  }
0x121: {  	_ =	swait.ge [sflag:s9], $0x4000  }
0x122: {  	[sflag:s9] =	ssyncset.done $0x0  }
0x123: {  	s1 =	simm.s32 $0xE80;
	[sflag:s9] =	ssyncadd.s32 $0xFFFFC000  }
0x124: {  	[tilespmem:s7], [sflag:$0x2] =	stream.indirect.gather [hbm4b:s3+s12], $0x80, s1, s12, $0xb8;
	[tilespmem:$0x1D000] =	vst v63  }
0x125: {  	_ =	swait.ge [sflag:s16], $0x4000  }
0x126: {  	[sflag:s16] =	ssyncset.done $0x0  }
0x127: {  	s1 =	rddreg [dreg:$0x1b];
	[sflag:s16] =	ssyncadd.s32 $0xFFFFC000  }
0x128: {  	[hbm4b:s1+s2] =	stream.linear.scatter [tilespmem:s5], [sflag:$0xA], $0x4000, $0x38;
	[tilespmem:$0x1D000] =	vst v63  }
0x129: {  	_ =	swait.ge [sflag:s10], $0x4000  }
0x12a: {  	[sflag:s10] =	ssyncset.done $0x0  }
0x12b: {  	[sflag:s10] =	ssyncadd.s32 $0xFFFFC000  }
0x12c: {  	[tilespmem:s5], [sflag:$0x3] =	stream.indirect.gather [hbm4b:s3+s12], $0x80, s29, s12, $0xb8;
	[tilespmem:$0x1D000] =	vst v63  }
0x12d: {  	_ =	swait.ge [sflag:s18], $0x4000  }
0x12e: {  	[sflag:s18] =	ssyncset.done $0x0  }
0x12f: {  	s1 =	rddreg [dreg:$0x1c];
	[sflag:s18] =	ssyncadd.s32 $0xFFFFC000  }
0x130: {  	[hbm4b:s1+s2] =	stream.linear.scatter [tilespmem:s4], [sflag:$0xB], $0x4000, $0x38;
	[tilespmem:$0x1D000] =	vst v63  }
0x131: {  	_ =	swait.ge [sflag:s11], $0x4000  }
0x132: {  	[sflag:s11] =	ssyncset.done $0x0  }
0x133: {  	[sflag:s11] =	ssyncadd.s32 $0xFFFFC000  }
0x134: {  	[tilespmem:s4], [sflag:$0x4] =	stream.indirect.gather [hbm4b:s3+s12], $0x80, s28, s12, $0xb8;
	[tilespmem:$0x1D000] =	vst v63  }
0x135: {  	_ =	swait.ge [sflag:s23], $0x4000  }
0x136: {  	[sflag:s23] =	ssyncset.done $0x0  }
0x137: {  	s1 =	rddreg [dreg:$0x1d];
	[sflag:s23] =	ssyncadd.s32 $0xFFFFC000  }
0x138: {  	[hbm4b:s1+s2] =	stream.linear.scatter [tilespmem:s19], [sflag:$0xC], $0x4000, $0x38;
	[tilespmem:$0x1D000] =	vst v63  }
0x139: {  	_ =	swait.ge [sflag:s24], $0x4000  }
0x13a: {  	[sflag:s24] =	ssyncset.done $0x0  }
0x13b: {  	s1 =	rddreg [dreg:$0x1e];
	[sflag:s24] =	ssyncadd.s32 $0xFFFFC000  }
0x13c: {  	[hbm4b:s1+s2] =	stream.linear.scatter [tilespmem:s17], [sflag:$0xD], $0x4000, $0x38;
	[tilespmem:$0x1D000] =	vst v63  }
0x13d: {  	_ =	swait.ge [sflag:s25], $0x4000  }
0x13e: {  	[sflag:s25] =	ssyncset.done $0x0  }
0x13f: {  	s1 =	rddreg [dreg:$0x1f];
	[sflag:s25] =	ssyncadd.s32 $0xFFFFC000  }
0x140: {  	[hbm4b:s1+s2] =	stream.linear.scatter [tilespmem:s14], [sflag:$0xE], $0x4000, $0x38;
	[tilespmem:$0x1D000] =	vst v63  }
0x141: {  	_ =	swait.ge [sflag:s13], $0x4000  }
0x142: {  	s1 =	sld [smem:$0x7DF]  }
0x143: {  	[sflag:s13] =	ssyncset.done $0x0  }
0x144: {  	[sflag:s13] =	ssyncadd.s32 $0xFFFFC000  }
0x145: {  	[hbm4b:s1+s2] =	stream.linear.scatter [tilespmem:s8], [sflag:$0x8], $0x4000, $0x38;
	[tilespmem:$0x1D000] =	vst v63  }
0x146: {  	_ =	swait.ge [sflag:s15], $0x4000  }
0x147: {  	s1 =	sld [smem:$0x7E0]  }
0x148: {  	[sflag:s15] =	ssyncset.done $0x0  }
0x149: {  	[sflag:s15] =	ssyncadd.s32 $0xFFFFC000  }
0x14a: {  	[hbm4b:s1+s2] =	stream.linear.scatter [tilespmem:s7], [sflag:$0x9], $0x4000, $0x38;
	[tilespmem:$0x1D000] =	vst v63  }
0x14b: {  	_ =	swait.ge [sflag:s16], $0x4000  }
0x14c: {  	s1 =	sld [smem:$0x7E1]  }
0x14d: {  	[sflag:s16] =	ssyncset.done $0x0  }
0x14e: {  	[sflag:s16] =	ssyncadd.s32 $0xFFFFC000  }
0x14f: {  	[hbm4b:s1+s2] =	stream.linear.scatter [tilespmem:s5], [sflag:$0xA], $0x4000, $0x38;
	[tilespmem:$0x1D000] =	vst v63  }
0x150: {  	_ =	swait.ge [sflag:s18], $0x4000  }
0x151: {  	s1 =	sld [smem:$0x7E2]  }
0x152: {  	[sflag:s18] =	ssyncset.done $0x0  }
0x153: {  	[sflag:s18] =	ssyncadd.s32 $0xFFFFC000  }
0x154: {  	[hbm4b:s1+s2] =	stream.linear.scatter [tilespmem:s4], [sflag:$0xB], $0x4000, $0x38;
	[tilespmem:$0x1D000] =	vst v63  }
0x155: {  	_ =	swait.ge [sflag:s20], $0x4000  }
0x156: {  	[sflag:s20] =	ssyncset.done $0x0  }
0x157: {  	[sflag:s20] =	ssyncadd.s32 $0xFFFFC000  }
0x158: {  	_ =	swait.ge [sflag:s22], $0x4000  }
0x159: {  	[sflag:s22] =	ssyncset.done $0x0  }
0x15a: {  	[sflag:s22] =	ssyncadd.s32 $0xFFFFC000  }
0x15b: {  	_ =	swait.ge [sflag:s21], $0x4000  }
0x15c: {  	[sflag:s21] =	ssyncset.done $0x0  }
0x15d: {  	[sflag:s21] =	ssyncadd.s32 $0xFFFFC000  }
0x15e: {  	_ =	swait.ge [sflag:s6], $0x4000  }
0x15f: {  	[sflag:s6] =	ssyncset.done $0x0  }
0x160: {  	[sflag:s6] =	ssyncadd.s32 $0xFFFFC000  }
0x161: {  	_ =	swait.ge [sflag:s9], $0x4000  }
0x162: {  	[sflag:s9] =	ssyncset.done $0x0  }
0x163: {  	p1 =	sne.s32 s26, $0x1;
	[sflag:s9] =	ssyncadd.s32 $0xFFFFC000  }
.Ltmp1:
0x164: {  	_ =	swait.ge [sflag:s10], $0x4000;
	(pc) =	sbr.rel @!p1 .LBB2_3-.Ltmp1, $4  }
0x165: {  	[sflag:s10] =	ssyncset.done $0x0  }
0x166: {  	[sflag:s10] =	ssyncadd.s32 $0xFFFFC000  }
0x167: {  	p0 =	por $0x1, $0x1;
	_ =	swait.ge [sflag:s11], $0x4000  }
0x168: {  	s1 =	sadd.s32 $0xFFFFFFFF, s26;
	s0 =	rddreg [dreg:$0x4];
	[sflag:s11] =	ssyncset.done $0x0  }
.LBB2_4:
0x169: {  	[sflag:s11] =	ssyncadd.s32 $0xFFFFC000  }
0x16a: {  	[tilespmem:s2], [sflag:$0xF] =	stream.linear.gather [hbm4b:s0+s2], $0x1000, $0x38;
	[tilespmem:$0x1D000] =	vst v63  }
0x16b: {  	_ =	swait.ge [sflag:s31], $0x1000  }
0x16c: {  	[sflag:s31] =	ssyncset.done $0x0  }
0x16d: {  	[sflag:s31] =	ssyncadd.s32 $0xFFFFF000  }
0x16e: {  	[tilespmem:s8], [sflag:$0x1] =	stream.indirect.gather [hbm4b:s3+s12], $0x80, s2, s12, $0xb8;
	[tilespmem:$0x1D000] =	vst v63  }
0x16f: {  	s0 =	sld [smem:$0x7E3]  }
0x170: {  	[tilespmem:s7], [sflag:$0x2] =	stream.indirect.gather [hbm4b:s3+s12], $0x80, s12, s12, $0xb8;
	[tilespmem:$0x1D000] =	vst v63  }
0x171: {  	s26 =	sld [smem:$0x7E4]  }
0x172: {  	[tilespmem:s5], [sflag:$0x3] =	stream.indirect.gather [hbm4b:s3+s12], $0x80, s0, s12, $0xb8;
	[tilespmem:$0x1D000] =	vst v63  }
0x173: {  	s0 =	sld [smem:$0x7E5]  }
0x174: {  	[tilespmem:s4], [sflag:$0x4] =	stream.indirect.gather [hbm4b:s3+s12], $0x80, s26, s12, $0xb8;
	[tilespmem:$0x1D000] =	vst v63  }
0x175: {  	s26 =	sld [smem:$0x7E6]  }
0x176: {  	[tilespmem:s19], [sflag:$0x5] =	stream.indirect.gather [hbm4b:s3+s12], $0x80, s0, s12, $0xb8;
	[tilespmem:$0x1D000] =	vst v63  }
0x177: {  	s0 =	sld [smem:$0x7E7]  }
0x178: {  	[tilespmem:s17], [sflag:$0x6] =	stream.indirect.gather [hbm4b:s3+s12], $0x80, s26, s12, $0xb8;
	[tilespmem:$0x1D000] =	vst v63  }
0x179: {  	_ = 	snop  }
0x17a: {  	[tilespmem:s14], [sflag:$0x7] =	stream.indirect.gather [hbm4b:s3+s12], $0x80, s0, s12, $0xb8;
	[tilespmem:$0x1D000] =	vst v63  }
0x17b: {  	_ =	swait.ge [sflag:s13], $0x4000  }
0x17c: {  	[sflag:s13] =	ssyncset.done $0x0  }
0x17d: {  	[sflag:s13] =	ssyncadd.s32 $0xFFFFC000  }
0x17e: {  	[hbm4b:s30+s2] =	stream.linear.scatter [tilespmem:s8], [sflag:$0x8], $0x4000, $0x38;
	[tilespmem:$0x1D000] =	vst v63  }
0x17f: {  	_ =	swait.ge [sflag:s6], $0x4000  }
0x180: {  	s26 =	sld [smem:$0x7E8]  }
0x181: {  	[sflag:s6] =	ssyncset.done $0x0  }
0x182: {  	[sflag:s6] =	ssyncadd.s32 $0xFFFFC000  }
0x183: {  	[tilespmem:s8], [sflag:$0x1] =	stream.indirect.gather [hbm4b:s3+s12], $0x80, s26, s12, $0xb8;
	[tilespmem:$0x1D000] =	vst v63  }
0x184: {  	_ =	swait.ge [sflag:s15], $0x4000  }
0x185: {  	[sflag:s15] =	ssyncset.done $0x0  }
0x186: {  	s26 =	rddreg [dreg:$0x5];
	[sflag:s15] =	ssyncadd.s32 $0xFFFFC000  }
0x187: {  	[hbm4b:s26+s2] =	stream.linear.scatter [tilespmem:s7], [sflag:$0x9], $0x4000, $0x38;
	[tilespmem:$0x1D000] =	vst v63  }
0x188: {  	_ =	swait.ge [sflag:s9], $0x4000  }
0x189: {  	s26 =	sld [smem:$0x7E9]  }
0x18a: {  	[sflag:s9] =	ssyncset.done $0x0  }
0x18b: {  	[sflag:s9] =	ssyncadd.s32 $0xFFFFC000  }
0x18c: {  	[tilespmem:s7], [sflag:$0x2] =	stream.indirect.gather [hbm4b:s3+s12], $0x80, s26, s12, $0xb8;
	[tilespmem:$0x1D000] =	vst v63  }
0x18d: {  	_ =	swait.ge [sflag:s16], $0x4000  }
0x18e: {  	[sflag:s16] =	ssyncset.done $0x0  }
0x18f: {  	s26 =	rddreg [dreg:$0x6];
	[sflag:s16] =	ssyncadd.s32 $0xFFFFC000  }
0x190: {  	[hbm4b:s26+s2] =	stream.linear.scatter [tilespmem:s5], [sflag:$0xA], $0x4000, $0x38;
	[tilespmem:$0x1D000] =	vst v63  }
0x191: {  	_ =	swait.ge [sflag:s10], $0x4000  }
0x192: {  	s26 =	sld [smem:$0x7EA]  }
0x193: {  	[sflag:s10] =	ssyncset.done $0x0  }
0x194: {  	[sflag:s10] =	ssyncadd.s32 $0xFFFFC000  }
0x195: {  	[tilespmem:s5], [sflag:$0x3] =	stream.indirect.gather [hbm4b:s3+s12], $0x80, s26, s12, $0xb8;
	[tilespmem:$0x1D000] =	vst v63  }
0x196: {  	_ =	swait.ge [sflag:s18], $0x4000  }
0x197: {  	[sflag:s18] =	ssyncset.done $0x0  }
0x198: {  	s26 =	rddreg [dreg:$0x7];
	[sflag:s18] =	ssyncadd.s32 $0xFFFFC000  }
0x199: {  	[hbm4b:s26+s2] =	stream.linear.scatter [tilespmem:s4], [sflag:$0xB], $0x4000, $0x38;
	[tilespmem:$0x1D000] =	vst v63  }
0x19a: {  	_ =	swait.ge [sflag:s11], $0x4000  }
0x19b: {  	s26 =	sld [smem:$0x7EB]  }
0x19c: {  	[sflag:s11] =	ssyncset.done $0x0  }
0x19d: {  	[sflag:s11] =	ssyncadd.s32 $0xFFFFC000  }
0x19e: {  	[tilespmem:s4], [sflag:$0x4] =	stream.indirect.gather [hbm4b:s3+s12], $0x80, s26, s12, $0xb8;
	[tilespmem:$0x1D000] =	vst v63  }
0x19f: {  	_ =	swait.ge [sflag:s23], $0x4000  }
0x1a0: {  	[sflag:s23] =	ssyncset.done $0x0  }
0x1a1: {  	s26 =	rddreg [dreg:$0x8];
	[sflag:s23] =	ssyncadd.s32 $0xFFFFC000  }
0x1a2: {  	[hbm4b:s26+s2] =	stream.linear.scatter [tilespmem:s19], [sflag:$0xC], $0x4000, $0x38;
	[tilespmem:$0x1D000] =	vst v63  }
0x1a3: {  	_ =	swait.ge [sflag:s20], $0x4000  }
0x1a4: {  	s26 =	sld [smem:$0x7EC]  }
0x1a5: {  	[sflag:s20] =	ssyncset.done $0x0  }
0x1a6: {  	[sflag:s20] =	ssyncadd.s32 $0xFFFFC000  }
0x1a7: {  	[tilespmem:s19], [sflag:$0x5] =	stream.indirect.gather [hbm4b:s3+s12], $0x80, s26, s12, $0xb8;
	[tilespmem:$0x1D000] =	vst v63  }
0x1a8: {  	_ =	swait.ge [sflag:s24], $0x4000  }
0x1a9: {  	[sflag:s24] =	ssyncset.done $0x0  }
0x1aa: {  	s26 =	rddreg [dreg:$0x9];
	[sflag:s24] =	ssyncadd.s32 $0xFFFFC000  }
0x1ab: {  	[hbm4b:s26+s2] =	stream.linear.scatter [tilespmem:s17], [sflag:$0xD], $0x4000, $0x38;
	[tilespmem:$0x1D000] =	vst v63  }
0x1ac: {  	_ =	swait.ge [sflag:s22], $0x4000  }
0x1ad: {  	s26 =	sld [smem:$0x7ED]  }
0x1ae: {  	[sflag:s22] =	ssyncset.done $0x0  }
0x1af: {  	[sflag:s22] =	ssyncadd.s32 $0xFFFFC000  }
0x1b0: {  	[tilespmem:s17], [sflag:$0x6] =	stream.indirect.gather [hbm4b:s3+s12], $0x80, s26, s12, $0xb8;
	[tilespmem:$0x1D000] =	vst v63  }
0x1b1: {  	_ =	swait.ge [sflag:s25], $0x4000  }
0x1b2: {  	[sflag:s25] =	ssyncset.done $0x0  }
0x1b3: {  	s26 =	rddreg [dreg:$0xa];
	[sflag:s25] =	ssyncadd.s32 $0xFFFFC000  }
0x1b4: {  	[hbm4b:s26+s2] =	stream.linear.scatter [tilespmem:s14], [sflag:$0xE], $0x4000, $0x38;
	[tilespmem:$0x1D000] =	vst v63  }
0x1b5: {  	_ =	swait.ge [sflag:s21], $0x4000  }
0x1b6: {  	s26 =	sld [smem:$0x7EE]  }
0x1b7: {  	[sflag:s21] =	ssyncset.done $0x0  }
0x1b8: {  	[sflag:s21] =	ssyncadd.s32 $0xFFFFC000  }
0x1b9: {  	[tilespmem:s14], [sflag:$0x7] =	stream.indirect.gather [hbm4b:s3+s12], $0x80, s26, s12, $0xb8;
	[tilespmem:$0x1D000] =	vst v63  }
0x1ba: {  	_ =	swait.ge [sflag:s13], $0x4000  }
0x1bb: {  	[sflag:s13] =	ssyncset.done $0x0  }
0x1bc: {  	s26 =	rddreg [dreg:$0xb];
	[sflag:s13] =	ssyncadd.s32 $0xFFFFC000  }
0x1bd: {  	[hbm4b:s26+s2] =	stream.linear.scatter [tilespmem:s8], [sflag:$0x8], $0x4000, $0x38;
	[tilespmem:$0x1D000] =	vst v63  }
0x1be: {  	_ =	swait.ge [sflag:s6], $0x4000  }
0x1bf: {  	s26 =	sld [smem:$0x7EF]  }
0x1c0: {  	[sflag:s6] =	ssyncset.done $0x0  }
0x1c1: {  	[sflag:s6] =	ssyncadd.s32 $0xFFFFC000  }
0x1c2: {  	[tilespmem:s8], [sflag:$0x1] =	stream.indirect.gather [hbm4b:s3+s12], $0x80, s26, s12, $0xb8;
	[tilespmem:$0x1D000] =	vst v63  }
0x1c3: {  	_ =	swait.ge [sflag:s15], $0x4000  }
0x1c4: {  	[sflag:s15] =	ssyncset.done $0x0  }
0x1c5: {  	s26 =	rddreg [dreg:$0xc];
	[sflag:s15] =	ssyncadd.s32 $0xFFFFC000  }
0x1c6: {  	[hbm4b:s26+s2] =	stream.linear.scatter [tilespmem:s7], [sflag:$0x9], $0x4000, $0x38;
	[tilespmem:$0x1D000] =	vst v63  }
0x1c7: {  	_ =	swait.ge [sflag:s9], $0x4000  }
0x1c8: {  	s26 =	sld [smem:$0x7F0]  }
0x1c9: {  	[sflag:s9] =	ssyncset.done $0x0  }
0x1ca: {  	[sflag:s9] =	ssyncadd.s32 $0xFFFFC000  }
0x1cb: {  	[tilespmem:s7], [sflag:$0x2] =	stream.indirect.gather [hbm4b:s3+s12], $0x80, s26, s12, $0xb8;
	[tilespmem:$0x1D000] =	vst v63  }
0x1cc: {  	_ =	swait.ge [sflag:s16], $0x4000  }
0x1cd: {  	[sflag:s16] =	ssyncset.done $0x0  }
0x1ce: {  	s26 =	rddreg [dreg:$0xd];
	[sflag:s16] =	ssyncadd.s32 $0xFFFFC000  }
0x1cf: {  	[hbm4b:s26+s2] =	stream.linear.scatter [tilespmem:s5], [sflag:$0xA], $0x4000, $0x38;
	[tilespmem:$0x1D000] =	vst v63  }
0x1d0: {  	_ =	swait.ge [sflag:s10], $0x4000  }
0x1d1: {  	s26 =	sld [smem:$0x7F1]  }
0x1d2: {  	[sflag:s10] =	ssyncset.done $0x0  }
0x1d3: {  	[sflag:s10] =	ssyncadd.s32 $0xFFFFC000  }
0x1d4: {  	[tilespmem:s5], [sflag:$0x3] =	stream.indirect.gather [hbm4b:s3+s12], $0x80, s26, s12, $0xb8;
	[tilespmem:$0x1D000] =	vst v63  }
0x1d5: {  	_ =	swait.ge [sflag:s18], $0x4000  }
0x1d6: {  	[sflag:s18] =	ssyncset.done $0x0  }
0x1d7: {  	s26 =	rddreg [dreg:$0xe];
	[sflag:s18] =	ssyncadd.s32 $0xFFFFC000  }
0x1d8: {  	[hbm4b:s26+s2] =	stream.linear.scatter [tilespmem:s4], [sflag:$0xB], $0x4000, $0x38;
	[tilespmem:$0x1D000] =	vst v63  }
0x1d9: {  	_ =	swait.ge [sflag:s11], $0x4000  }
0x1da: {  	s26 =	sld [smem:$0x7F2]  }
0x1db: {  	[sflag:s11] =	ssyncset.done $0x0  }
0x1dc: {  	[sflag:s11] =	ssyncadd.s32 $0xFFFFC000  }
0x1dd: {  	[tilespmem:s4], [sflag:$0x4] =	stream.indirect.gather [hbm4b:s3+s12], $0x80, s26, s12, $0xb8;
	[tilespmem:$0x1D000] =	vst v63  }
0x1de: {  	_ =	swait.ge [sflag:s23], $0x4000  }
0x1df: {  	[sflag:s23] =	ssyncset.done $0x0  }
0x1e0: {  	s26 =	rddreg [dreg:$0xf];
	[sflag:s23] =	ssyncadd.s32 $0xFFFFC000  }
0x1e1: {  	[hbm4b:s26+s2] =	stream.linear.scatter [tilespmem:s19], [sflag:$0xC], $0x4000, $0x38;
	[tilespmem:$0x1D000] =	vst v63  }
0x1e2: {  	_ =	swait.ge [sflag:s20], $0x4000  }
0x1e3: {  	s26 =	sld [smem:$0x7F3]  }
0x1e4: {  	[sflag:s20] =	ssyncset.done $0x0  }
0x1e5: {  	[sflag:s20] =	ssyncadd.s32 $0xFFFFC000  }
0x1e6: {  	[tilespmem:s19], [sflag:$0x5] =	stream.indirect.gather [hbm4b:s3+s12], $0x80, s26, s12, $0xb8;
	[tilespmem:$0x1D000] =	vst v63  }
0x1e7: {  	_ =	swait.ge [sflag:s24], $0x4000  }
0x1e8: {  	[sflag:s24] =	ssyncset.done $0x0  }
0x1e9: {  	s26 =	rddreg [dreg:$0x10];
	[sflag:s24] =	ssyncadd.s32 $0xFFFFC000  }
0x1ea: {  	[hbm4b:s26+s2] =	stream.linear.scatter [tilespmem:s17], [sflag:$0xD], $0x4000, $0x38;
	[tilespmem:$0x1D000] =	vst v63  }
0x1eb: {  	_ =	swait.ge [sflag:s22], $0x4000  }
0x1ec: {  	s26 =	sld [smem:$0x7F4]  }
0x1ed: {  	[sflag:s22] =	ssyncset.done $0x0  }
0x1ee: {  	[sflag:s22] =	ssyncadd.s32 $0xFFFFC000  }
0x1ef: {  	[tilespmem:s17], [sflag:$0x6] =	stream.indirect.gather [hbm4b:s3+s12], $0x80, s26, s12, $0xb8;
	[tilespmem:$0x1D000] =	vst v63  }
0x1f0: {  	_ =	swait.ge [sflag:s25], $0x4000  }
0x1f1: {  	[sflag:s25] =	ssyncset.done $0x0  }
0x1f2: {  	s26 =	rddreg [dreg:$0x11];
	[sflag:s25] =	ssyncadd.s32 $0xFFFFC000  }
0x1f3: {  	[hbm4b:s26+s2] =	stream.linear.scatter [tilespmem:s14], [sflag:$0xE], $0x4000, $0x38;
	[tilespmem:$0x1D000] =	vst v63  }
0x1f4: {  	_ =	swait.ge [sflag:s21], $0x4000  }
0x1f5: {  	s26 =	sld [smem:$0x7F5]  }
0x1f6: {  	[sflag:s21] =	ssyncset.done $0x0  }
0x1f7: {  	[sflag:s21] =	ssyncadd.s32 $0xFFFFC000  }
0x1f8: {  	[tilespmem:s14], [sflag:$0x7] =	stream.indirect.gather [hbm4b:s3+s12], $0x80, s26, s12, $0xb8;
	[tilespmem:$0x1D000] =	vst v63  }
0x1f9: {  	_ =	swait.ge [sflag:s13], $0x4000  }
0x1fa: {  	[sflag:s13] =	ssyncset.done $0x0  }
0x1fb: {  	s26 =	rddreg [dreg:$0x12];
	[sflag:s13] =	ssyncadd.s32 $0xFFFFC000  }
0x1fc: {  	[hbm4b:s26+s2] =	stream.linear.scatter [tilespmem:s8], [sflag:$0x8], $0x4000, $0x38;
	[tilespmem:$0x1D000] =	vst v63  }
0x1fd: {  	_ =	swait.ge [sflag:s6], $0x4000  }
0x1fe: {  	s26 =	sld [smem:$0x7F6]  }
0x1ff: {  	[sflag:s6] =	ssyncset.done $0x0  }
0x200: {  	[sflag:s6] =	ssyncadd.s32 $0xFFFFC000  }
0x201: {  	[tilespmem:s8], [sflag:$0x1] =	stream.indirect.gather [hbm4b:s3+s12], $0x80, s26, s12, $0xb8;
	[tilespmem:$0x1D000] =	vst v63  }
0x202: {  	_ =	swait.ge [sflag:s15], $0x4000  }
0x203: {  	[sflag:s15] =	ssyncset.done $0x0  }
0x204: {  	s26 =	rddreg [dreg:$0x13];
	[sflag:s15] =	ssyncadd.s32 $0xFFFFC000  }
0x205: {  	[hbm4b:s26+s2] =	stream.linear.scatter [tilespmem:s7], [sflag:$0x9], $0x4000, $0x38;
	[tilespmem:$0x1D000] =	vst v63  }
0x206: {  	_ =	swait.ge [sflag:s9], $0x4000  }
0x207: {  	s26 =	sld [smem:$0x7F7]  }
0x208: {  	[sflag:s9] =	ssyncset.done $0x0  }
0x209: {  	[sflag:s9] =	ssyncadd.s32 $0xFFFFC000  }
0x20a: {  	[tilespmem:s7], [sflag:$0x2] =	stream.indirect.gather [hbm4b:s3+s12], $0x80, s26, s12, $0xb8;
	[tilespmem:$0x1D000] =	vst v63  }
0x20b: {  	_ =	swait.ge [sflag:s16], $0x4000  }
0x20c: {  	[sflag:s16] =	ssyncset.done $0x0  }
0x20d: {  	s26 =	rddreg [dreg:$0x14];
	[sflag:s16] =	ssyncadd.s32 $0xFFFFC000  }
0x20e: {  	[hbm4b:s26+s2] =	stream.linear.scatter [tilespmem:s5], [sflag:$0xA], $0x4000, $0x38;
	[tilespmem:$0x1D000] =	vst v63  }
0x20f: {  	_ =	swait.ge [sflag:s10], $0x4000  }
0x210: {  	s26 =	sld [smem:$0x7F8]  }
0x211: {  	[sflag:s10] =	ssyncset.done $0x0  }
0x212: {  	[sflag:s10] =	ssyncadd.s32 $0xFFFFC000  }
0x213: {  	[tilespmem:s5], [sflag:$0x3] =	stream.indirect.gather [hbm4b:s3+s12], $0x80, s26, s12, $0xb8;
	[tilespmem:$0x1D000] =	vst v63  }
0x214: {  	_ =	swait.ge [sflag:s18], $0x4000  }
0x215: {  	[sflag:s18] =	ssyncset.done $0x0  }
0x216: {  	s26 =	rddreg [dreg:$0x15];
	[sflag:s18] =	ssyncadd.s32 $0xFFFFC000  }
0x217: {  	[hbm4b:s26+s2] =	stream.linear.scatter [tilespmem:s4], [sflag:$0xB], $0x4000, $0x38;
	[tilespmem:$0x1D000] =	vst v63  }
0x218: {  	_ =	swait.ge [sflag:s11], $0x4000  }
0x219: {  	s26 =	sld [smem:$0x7F9]  }
0x21a: {  	[sflag:s11] =	ssyncset.done $0x0  }
0x21b: {  	[sflag:s11] =	ssyncadd.s32 $0xFFFFC000  }
0x21c: {  	[tilespmem:s4], [sflag:$0x4] =	stream.indirect.gather [hbm4b:s3+s12], $0x80, s26, s12, $0xb8;
	[tilespmem:$0x1D000] =	vst v63  }
0x21d: {  	_ =	swait.ge [sflag:s23], $0x4000  }
0x21e: {  	[sflag:s23] =	ssyncset.done $0x0  }
0x21f: {  	s26 =	rddreg [dreg:$0x16];
	[sflag:s23] =	ssyncadd.s32 $0xFFFFC000  }
0x220: {  	[hbm4b:s26+s2] =	stream.linear.scatter [tilespmem:s19], [sflag:$0xC], $0x4000, $0x38;
	[tilespmem:$0x1D000] =	vst v63  }
0x221: {  	_ =	swait.ge [sflag:s20], $0x4000  }
0x222: {  	s26 =	sld [smem:$0x7FA]  }
0x223: {  	[sflag:s20] =	ssyncset.done $0x0  }
0x224: {  	[sflag:s20] =	ssyncadd.s32 $0xFFFFC000  }
0x225: {  	[tilespmem:s19], [sflag:$0x5] =	stream.indirect.gather [hbm4b:s3+s12], $0x80, s26, s12, $0xb8;
	[tilespmem:$0x1D000] =	vst v63  }
0x226: {  	_ =	swait.ge [sflag:s24], $0x4000  }
0x227: {  	[sflag:s24] =	ssyncset.done $0x0  }
0x228: {  	s26 =	rddreg [dreg:$0x17];
	[sflag:s24] =	ssyncadd.s32 $0xFFFFC000  }
0x229: {  	[hbm4b:s26+s2] =	stream.linear.scatter [tilespmem:s17], [sflag:$0xD], $0x4000, $0x38;
	[tilespmem:$0x1D000] =	vst v63  }
0x22a: {  	_ =	swait.ge [sflag:s22], $0x4000  }
0x22b: {  	s26 =	sld [smem:$0x7FB]  }
0x22c: {  	[sflag:s22] =	ssyncset.done $0x0  }
0x22d: {  	[sflag:s22] =	ssyncadd.s32 $0xFFFFC000  }
0x22e: {  	[tilespmem:s17], [sflag:$0x6] =	stream.indirect.gather [hbm4b:s3+s12], $0x80, s26, s12, $0xb8;
	[tilespmem:$0x1D000] =	vst v63  }
0x22f: {  	_ =	swait.ge [sflag:s25], $0x4000  }
0x230: {  	[sflag:s25] =	ssyncset.done $0x0  }
0x231: {  	s26 =	rddreg [dreg:$0x18];
	[sflag:s25] =	ssyncadd.s32 $0xFFFFC000  }
0x232: {  	[hbm4b:s26+s2] =	stream.linear.scatter [tilespmem:s14], [sflag:$0xE], $0x4000, $0x38;
	[tilespmem:$0x1D000] =	vst v63  }
0x233: {  	_ =	swait.ge [sflag:s21], $0x4000  }
0x234: {  	s26 =	sld [smem:$0x7FC]  }
0x235: {  	[sflag:s21] =	ssyncset.done $0x0  }
0x236: {  	[sflag:s21] =	ssyncadd.s32 $0xFFFFC000  }
0x237: {  	[tilespmem:s14], [sflag:$0x7] =	stream.indirect.gather [hbm4b:s3+s12], $0x80, s26, s12, $0xb8;
	[tilespmem:$0x1D000] =	vst v63  }
0x238: {  	_ =	swait.ge [sflag:s13], $0x4000  }
0x239: {  	[sflag:s13] =	ssyncset.done $0x0  }
0x23a: {  	s26 =	rddreg [dreg:$0x19];
	[sflag:s13] =	ssyncadd.s32 $0xFFFFC000  }
0x23b: {  	[hbm4b:s26+s2] =	stream.linear.scatter [tilespmem:s8], [sflag:$0x8], $0x4000, $0x38;
	[tilespmem:$0x1D000] =	vst v63  }
0x23c: {  	_ =	swait.ge [sflag:s6], $0x4000  }
0x23d: {  	s26 =	sld [smem:$0x7FD]  }
0x23e: {  	[sflag:s6] =	ssyncset.done $0x0  }
0x23f: {  	[sflag:s6] =	ssyncadd.s32 $0xFFFFC000  }
0x240: {  	[tilespmem:s8], [sflag:$0x1] =	stream.indirect.gather [hbm4b:s3+s12], $0x80, s26, s12, $0xb8;
	[tilespmem:$0x1D000] =	vst v63  }
0x241: {  	_ =	swait.ge [sflag:s15], $0x4000  }
0x242: {  	[sflag:s15] =	ssyncset.done $0x0  }
0x243: {  	s26 =	rddreg [dreg:$0x1a];
	[sflag:s15] =	ssyncadd.s32 $0xFFFFC000  }
0x244: {  	[hbm4b:s26+s2] =	stream.linear.scatter [tilespmem:s7], [sflag:$0x9], $0x4000, $0x38;
	[tilespmem:$0x1D000] =	vst v63  }
0x245: {  	_ =	swait.ge [sflag:s9], $0x4000  }
0x246: {  	[sflag:s9] =	ssyncset.done $0x0  }
0x247: {  	s26 =	simm.s32 $0xE80;
	[sflag:s9] =	ssyncadd.s32 $0xFFFFC000  }
0x248: {  	[tilespmem:s7], [sflag:$0x2] =	stream.indirect.gather [hbm4b:s3+s12], $0x80, s26, s12, $0xb8;
	[tilespmem:$0x1D000] =	vst v63  }
0x249: {  	_ =	swait.ge [sflag:s16], $0x4000  }
0x24a: {  	[sflag:s16] =	ssyncset.done $0x0  }
0x24b: {  	s26 =	rddreg [dreg:$0x1b];
	[sflag:s16] =	ssyncadd.s32 $0xFFFFC000  }
0x24c: {  	[hbm4b:s26+s2] =	stream.linear.scatter [tilespmem:s5], [sflag:$0xA], $0x4000, $0x38;
	[tilespmem:$0x1D000] =	vst v63  }
0x24d: {  	_ =	swait.ge [sflag:s10], $0x4000  }
0x24e: {  	[sflag:s10] =	ssyncset.done $0x0  }
0x24f: {  	[sflag:s10] =	ssyncadd.s32 $0xFFFFC000  }
0x250: {  	[tilespmem:s5], [sflag:$0x3] =	stream.indirect.gather [hbm4b:s3+s12], $0x80, s29, s12, $0xb8;
	[tilespmem:$0x1D000] =	vst v63  }
0x251: {  	_ =	swait.ge [sflag:s18], $0x4000  }
0x252: {  	[sflag:s18] =	ssyncset.done $0x0  }
0x253: {  	s26 =	rddreg [dreg:$0x1c];
	[sflag:s18] =	ssyncadd.s32 $0xFFFFC000  }
0x254: {  	[hbm4b:s26+s2] =	stream.linear.scatter [tilespmem:s4], [sflag:$0xB], $0x4000, $0x38;
	[tilespmem:$0x1D000] =	vst v63  }
0x255: {  	_ =	swait.ge [sflag:s11], $0x4000  }
0x256: {  	[sflag:s11] =	ssyncset.done $0x0  }
0x257: {  	[sflag:s11] =	ssyncadd.s32 $0xFFFFC000  }
0x258: {  	[tilespmem:s4], [sflag:$0x4] =	stream.indirect.gather [hbm4b:s3+s12], $0x80, s28, s12, $0xb8;
	[tilespmem:$0x1D000] =	vst v63  }
0x259: {  	_ =	swait.ge [sflag:s23], $0x4000  }
0x25a: {  	[sflag:s23] =	ssyncset.done $0x0  }
0x25b: {  	s26 =	rddreg [dreg:$0x1d];
	[sflag:s23] =	ssyncadd.s32 $0xFFFFC000  }
0x25c: {  	[hbm4b:s26+s2] =	stream.linear.scatter [tilespmem:s19], [sflag:$0xC], $0x4000, $0x38;
	[tilespmem:$0x1D000] =	vst v63  }
0x25d: {  	_ =	swait.ge [sflag:s24], $0x4000  }
0x25e: {  	[sflag:s24] =	ssyncset.done $0x0  }
0x25f: {  	s26 =	rddreg [dreg:$0x1e];
	[sflag:s24] =	ssyncadd.s32 $0xFFFFC000  }
0x260: {  	[hbm4b:s26+s2] =	stream.linear.scatter [tilespmem:s17], [sflag:$0xD], $0x4000, $0x38;
	[tilespmem:$0x1D000] =	vst v63  }
0x261: {  	_ =	swait.ge [sflag:s25], $0x4000  }
0x262: {  	[sflag:s25] =	ssyncset.done $0x0  }
0x263: {  	s26 =	rddreg [dreg:$0x1f];
	[sflag:s25] =	ssyncadd.s32 $0xFFFFC000  }
0x264: {  	[hbm4b:s26+s2] =	stream.linear.scatter [tilespmem:s14], [sflag:$0xE], $0x4000, $0x38;
	[tilespmem:$0x1D000] =	vst v63  }
0x265: {  	_ =	swait.ge [sflag:s13], $0x4000  }
0x266: {  	s26 =	sld [smem:$0x7DF]  }
0x267: {  	[sflag:s13] =	ssyncset.done $0x0  }
0x268: {  	[sflag:s13] =	ssyncadd.s32 $0xFFFFC000  }
0x269: {  	[hbm4b:s26+s2] =	stream.linear.scatter [tilespmem:s8], [sflag:$0x8], $0x4000, $0x38;
	[tilespmem:$0x1D000] =	vst v63  }
0x26a: {  	_ =	swait.ge [sflag:s15], $0x4000  }
0x26b: {  	s26 =	sld [smem:$0x7E0]  }
0x26c: {  	[sflag:s15] =	ssyncset.done $0x0  }
0x26d: {  	[sflag:s15] =	ssyncadd.s32 $0xFFFFC000  }
0x26e: {  	[hbm4b:s26+s2] =	stream.linear.scatter [tilespmem:s7], [sflag:$0x9], $0x4000, $0x38;
	[tilespmem:$0x1D000] =	vst v63  }
0x26f: {  	_ =	swait.ge [sflag:s16], $0x4000  }
0x270: {  	s26 =	sld [smem:$0x7E1]  }
0x271: {  	[sflag:s16] =	ssyncset.done $0x0  }
0x272: {  	[sflag:s16] =	ssyncadd.s32 $0xFFFFC000  }
0x273: {  	[hbm4b:s26+s2] =	stream.linear.scatter [tilespmem:s5], [sflag:$0xA], $0x4000, $0x38;
	[tilespmem:$0x1D000] =	vst v63  }
0x274: {  	_ =	swait.ge [sflag:s18], $0x4000  }
0x275: {  	s26 =	sld [smem:$0x7E2]  }
0x276: {  	[sflag:s18] =	ssyncset.done $0x0  }
0x277: {  	[sflag:s18] =	ssyncadd.s32 $0xFFFFC000  }
0x278: {  	[hbm4b:s26+s2] =	stream.linear.scatter [tilespmem:s4], [sflag:$0xB], $0x4000, $0x38;
	[tilespmem:$0x1D000] =	vst v63  }
0x279: {  	_ =	swait.ge [sflag:s20], $0x4000  }
0x27a: {  	[sflag:s20] =	ssyncset.done $0x0  }
0x27b: {  	[sflag:s20] =	ssyncadd.s32 $0xFFFFC000  }
0x27c: {  	_ =	swait.ge [sflag:s22], $0x4000  }
0x27d: {  	[sflag:s22] =	ssyncset.done $0x0  }
0x27e: {  	[sflag:s22] =	ssyncadd.s32 $0xFFFFC000  }
0x27f: {  	_ =	swait.ge [sflag:s21], $0x4000  }
0x280: {  	[sflag:s21] =	ssyncset.done $0x0  }
0x281: {  	[sflag:s21] =	ssyncadd.s32 $0xFFFFC000  }
0x282: {  	_ =	swait.ge [sflag:s6], $0x4000  }
0x283: {  	[sflag:s6] =	ssyncset.done $0x0  }
0x284: {  	[sflag:s6] =	ssyncadd.s32 $0xFFFFC000  }
0x285: {  	_ =	swait.ge [sflag:s9], $0x4000  }
0x286: {  	[sflag:s9] =	ssyncset.done $0x0  }
0x287: {  	p1 =	sne.s32 s1, $0x1;
	[sflag:s9] =	ssyncadd.s32 $0xFFFFC000  }
.Ltmp2:
0x288: {  	_ =	swait.ge [sflag:s10], $0x4000;
	(pc) =	sbr.rel @p1 .LBB2_4-.Ltmp2, $4  }
0x289: {  	[sflag:s10] =	ssyncset.done $0x0  }
0x28a: {  	[sflag:s10] =	ssyncadd.s32 $0xFFFFC000  }
0x28b: {  	_ =	swait.ge [sflag:s11], $0x4000  }
0x28c: {  	s1 =	sadd.s32 $0xFFFFFFFF, s1;
	s0 =	rddreg [dreg:$0x4];
	[sflag:s11] =	ssyncset.done $0x0  }
0x28d: {  	s28 =	simm.s32 $0xE80;
	s29 =	simm.s32 $0xF00;
	s26 =	stileid.u32  }
.LBB2_6:
0x28e: {  	[sflag:s11] =	ssyncadd.s32 @p0 $0xFFFFC000  }
0x28f: {  	[tilespmem:s2], [sflag:$0xF] =	stream.linear.gather [hbm4b:s0+s2], $0x1000, $0x38;
	[tilespmem:$0x1D000] =	vst v63  }
0x290: {  	_ =	swait.ge [sflag:s31], $0x1000  }
0x291: {  	[sflag:s31] =	ssyncset.done $0x0  }
0x292: {  	[sflag:s31] =	ssyncadd.s32 $0xFFFFF000  }
0x293: {  	[tilespmem:s8], [sflag:$0x1] =	stream.indirect.gather [hbm4b:s3+s12], $0x80, s2, s12, $0xb8;
	[tilespmem:$0x1D000] =	vst v63  }
0x294: {  	s31 =	sld [smem:$0x7E3]  }
0x295: {  	[tilespmem:s7], [sflag:$0x2] =	stream.indirect.gather [hbm4b:s3+s12], $0x80, s12, s12, $0xb8;
	[tilespmem:$0x1D000] =	vst v63  }
0x296: {  	s1 =	sld [smem:$0x7E4]  }
0x297: {  	[tilespmem:s5], [sflag:$0x3] =	stream.indirect.gather [hbm4b:s3+s12], $0x80, s31, s12, $0xb8;
	[tilespmem:$0x1D000] =	vst v63  }
0x298: {  	s31 =	sld [smem:$0x7E5]  }
0x299: {  	[tilespmem:s4], [sflag:$0x4] =	stream.indirect.gather [hbm4b:s3+s12], $0x80, s1, s12, $0xb8;
	[tilespmem:$0x1D000] =	vst v63  }
0x29a: {  	s1 =	sld [smem:$0x7E6]  }
0x29b: {  	[tilespmem:s19], [sflag:$0x5] =	stream.indirect.gather [hbm4b:s3+s12], $0x80, s31, s12, $0xb8;
	[tilespmem:$0x1D000] =	vst v63  }
0x29c: {  	s31 =	sld [smem:$0x7E7]  }
0x29d: {  	[tilespmem:s17], [sflag:$0x6] =	stream.indirect.gather [hbm4b:s3+s12], $0x80, s1, s12, $0xb8;
	[tilespmem:$0x1D000] =	vst v63  }
0x29e: {  	_ = 	snop  }
0x29f: {  	[tilespmem:s14], [sflag:$0x7] =	stream.indirect.gather [hbm4b:s3+s12], $0x80, s31, s12, $0xb8;
	[tilespmem:$0x1D000] =	vst v63  }
0x2a0: {  	_ =	swait.ge [sflag:s13], $0x4000  }
0x2a1: {  	[sflag:s13] =	ssyncset.done $0x0  }
0x2a2: {  	[sflag:s13] =	ssyncadd.s32 $0xFFFFC000  }
0x2a3: {  	[hbm4b:s30+s2] =	stream.linear.scatter [tilespmem:s8], [sflag:$0x8], $0x4000, $0x38;
	[tilespmem:$0x1D000] =	vst v63  }
0x2a4: {  	_ =	swait.ge [sflag:s6], $0x4000  }
0x2a5: {  	s31 =	sld [smem:$0x7E8]  }
0x2a6: {  	[sflag:s6] =	ssyncset.done $0x0  }
0x2a7: {  	[sflag:s6] =	ssyncadd.s32 $0xFFFFC000  }
0x2a8: {  	[tilespmem:s8], [sflag:$0x1] =	stream.indirect.gather [hbm4b:s3+s12], $0x80, s31, s12, $0xb8;
	[tilespmem:$0x1D000] =	vst v63  }
0x2a9: {  	_ =	swait.ge [sflag:s15], $0x4000  }
0x2aa: {  	[sflag:s15] =	ssyncset.done $0x0  }
0x2ab: {  	s1 =	rddreg [dreg:$0x5];
	[sflag:s15] =	ssyncadd.s32 $0xFFFFC000  }
0x2ac: {  	[hbm4b:s1+s2] =	stream.linear.scatter [tilespmem:s7], [sflag:$0x9], $0x4000, $0x38;
	[tilespmem:$0x1D000] =	vst v63  }
0x2ad: {  	_ =	swait.ge [sflag:s9], $0x4000  }
0x2ae: {  	s30 =	sld [smem:$0x7E9]  }
0x2af: {  	[sflag:s9] =	ssyncset.done $0x0  }
0x2b0: {  	[sflag:s9] =	ssyncadd.s32 $0xFFFFC000  }
0x2b1: {  	[tilespmem:s7], [sflag:$0x2] =	stream.indirect.gather [hbm4b:s3+s12], $0x80, s30, s12, $0xb8;
	[tilespmem:$0x1D000] =	vst v63  }
0x2b2: {  	_ =	swait.ge [sflag:s16], $0x4000  }
0x2b3: {  	[sflag:s16] =	ssyncset.done $0x0  }
0x2b4: {  	s31 =	rddreg [dreg:$0x6];
	[sflag:s16] =	ssyncadd.s32 $0xFFFFC000  }
0x2b5: {  	[hbm4b:s31+s2] =	stream.linear.scatter [tilespmem:s5], [sflag:$0xA], $0x4000, $0x38;
	[tilespmem:$0x1D000] =	vst v63  }
0x2b6: {  	_ =	swait.ge [sflag:s10], $0x4000  }
0x2b7: {  	s1 =	sld [smem:$0x7EA]  }
0x2b8: {  	[sflag:s10] =	ssyncset.done $0x0  }
0x2b9: {  	[sflag:s10] =	ssyncadd.s32 $0xFFFFC000  }
0x2ba: {  	[tilespmem:s5], [sflag:$0x3] =	stream.indirect.gather [hbm4b:s3+s12], $0x80, s1, s12, $0xb8;
	[tilespmem:$0x1D000] =	vst v63  }
0x2bb: {  	_ =	swait.ge [sflag:s18], $0x4000  }
0x2bc: {  	[sflag:s18] =	ssyncset.done $0x0  }
0x2bd: {  	s30 =	rddreg [dreg:$0x7];
	[sflag:s18] =	ssyncadd.s32 $0xFFFFC000  }
0x2be: {  	[hbm4b:s30+s2] =	stream.linear.scatter [tilespmem:s4], [sflag:$0xB], $0x4000, $0x38;
	[tilespmem:$0x1D000] =	vst v63  }
0x2bf: {  	_ =	swait.ge [sflag:s11], $0x4000  }
0x2c0: {  	s31 =	sld [smem:$0x7EB]  }
0x2c1: {  	[sflag:s11] =	ssyncset.done $0x0  }
0x2c2: {  	[sflag:s11] =	ssyncadd.s32 $0xFFFFC000  }
0x2c3: {  	[tilespmem:s4], [sflag:$0x4] =	stream.indirect.gather [hbm4b:s3+s12], $0x80, s31, s12, $0xb8;
	[tilespmem:$0x1D000] =	vst v63  }
0x2c4: {  	_ =	swait.ge [sflag:s23], $0x4000  }
0x2c5: {  	[sflag:s23] =	ssyncset.done $0x0  }
0x2c6: {  	s1 =	rddreg [dreg:$0x8];
	[sflag:s23] =	ssyncadd.s32 $0xFFFFC000  }
0x2c7: {  	[hbm4b:s1+s2] =	stream.linear.scatter [tilespmem:s19], [sflag:$0xC], $0x4000, $0x38;
	[tilespmem:$0x1D000] =	vst v63  }
0x2c8: {  	_ =	swait.ge [sflag:s20], $0x4000  }
0x2c9: {  	s30 =	sld [smem:$0x7EC]  }
0x2ca: {  	[sflag:s20] =	ssyncset.done $0x0  }
0x2cb: {  	[sflag:s20] =	ssyncadd.s32 $0xFFFFC000  }
0x2cc: {  	[tilespmem:s19], [sflag:$0x5] =	stream.indirect.gather [hbm4b:s3+s12], $0x80, s30, s12, $0xb8;
	[tilespmem:$0x1D000] =	vst v63  }
0x2cd: {  	_ =	swait.ge [sflag:s24], $0x4000  }
0x2ce: {  	[sflag:s24] =	ssyncset.done $0x0  }
0x2cf: {  	s31 =	rddreg [dreg:$0x9];
	[sflag:s24] =	ssyncadd.s32 $0xFFFFC000  }
0x2d0: {  	[hbm4b:s31+s2] =	stream.linear.scatter [tilespmem:s17], [sflag:$0xD], $0x4000, $0x38;
	[tilespmem:$0x1D000] =	vst v63  }
0x2d1: {  	_ =	swait.ge [sflag:s22], $0x4000  }
0x2d2: {  	s1 =	sld [smem:$0x7ED]  }
0x2d3: {  	[sflag:s22] =	ssyncset.done $0x0  }
0x2d4: {  	[sflag:s22] =	ssyncadd.s32 $0xFFFFC000  }
0x2d5: {  	[tilespmem:s17], [sflag:$0x6] =	stream.indirect.gather [hbm4b:s3+s12], $0x80, s1, s12, $0xb8;
	[tilespmem:$0x1D000] =	vst v63  }
0x2d6: {  	_ =	swait.ge [sflag:s25], $0x4000  }
0x2d7: {  	[sflag:s25] =	ssyncset.done $0x0  }
0x2d8: {  	s30 =	rddreg [dreg:$0xa];
	[sflag:s25] =	ssyncadd.s32 $0xFFFFC000  }
0x2d9: {  	[hbm4b:s30+s2] =	stream.linear.scatter [tilespmem:s14], [sflag:$0xE], $0x4000, $0x38;
	[tilespmem:$0x1D000] =	vst v63  }
0x2da: {  	_ =	swait.ge [sflag:s21], $0x4000  }
0x2db: {  	s31 =	sld [smem:$0x7EE]  }
0x2dc: {  	[sflag:s21] =	ssyncset.done $0x0  }
0x2dd: {  	[sflag:s21] =	ssyncadd.s32 $0xFFFFC000  }
0x2de: {  	[tilespmem:s14], [sflag:$0x7] =	stream.indirect.gather [hbm4b:s3+s12], $0x80, s31, s12, $0xb8;
	[tilespmem:$0x1D000] =	vst v63  }
0x2df: {  	_ =	swait.ge [sflag:s13], $0x4000  }
0x2e0: {  	[sflag:s13] =	ssyncset.done $0x0  }
0x2e1: {  	s1 =	rddreg [dreg:$0xb];
	[sflag:s13] =	ssyncadd.s32 $0xFFFFC000  }
0x2e2: {  	[hbm4b:s1+s2] =	stream.linear.scatter [tilespmem:s8], [sflag:$0x8], $0x4000, $0x38;
	[tilespmem:$0x1D000] =	vst v63  }
0x2e3: {  	_ =	swait.ge [sflag:s6], $0x4000  }
0x2e4: {  	s30 =	sld [smem:$0x7EF]  }
0x2e5: {  	[sflag:s6] =	ssyncset.done $0x0  }
0x2e6: {  	[sflag:s6] =	ssyncadd.s32 $0xFFFFC000  }
0x2e7: {  	[tilespmem:s8], [sflag:$0x1] =	stream.indirect.gather [hbm4b:s3+s12], $0x80, s30, s12, $0xb8;
	[tilespmem:$0x1D000] =	vst v63  }
0x2e8: {  	_ =	swait.ge [sflag:s15], $0x4000  }
0x2e9: {  	[sflag:s15] =	ssyncset.done $0x0  }
0x2ea: {  	s31 =	rddreg [dreg:$0xc];
	[sflag:s15] =	ssyncadd.s32 $0xFFFFC000  }
0x2eb: {  	[hbm4b:s31+s2] =	stream.linear.scatter [tilespmem:s7], [sflag:$0x9], $0x4000, $0x38;
	[tilespmem:$0x1D000] =	vst v63  }
0x2ec: {  	_ =	swait.ge [sflag:s9], $0x4000  }
0x2ed: {  	s1 =	sld [smem:$0x7F0]  }
0x2ee: {  	[sflag:s9] =	ssyncset.done $0x0  }
0x2ef: {  	[sflag:s9] =	ssyncadd.s32 $0xFFFFC000  }
0x2f0: {  	[tilespmem:s7], [sflag:$0x2] =	stream.indirect.gather [hbm4b:s3+s12], $0x80, s1, s12, $0xb8;
	[tilespmem:$0x1D000] =	vst v63  }
0x2f1: {  	_ =	swait.ge [sflag:s16], $0x4000  }
0x2f2: {  	[sflag:s16] =	ssyncset.done $0x0  }
0x2f3: {  	s30 =	rddreg [dreg:$0xd];
	[sflag:s16] =	ssyncadd.s32 $0xFFFFC000  }
0x2f4: {  	[hbm4b:s30+s2] =	stream.linear.scatter [tilespmem:s5], [sflag:$0xA], $0x4000, $0x38;
	[tilespmem:$0x1D000] =	vst v63  }
0x2f5: {  	_ =	swait.ge [sflag:s10], $0x4000  }
0x2f6: {  	s31 =	sld [smem:$0x7F1]  }
0x2f7: {  	[sflag:s10] =	ssyncset.done $0x0  }
0x2f8: {  	[sflag:s10] =	ssyncadd.s32 $0xFFFFC000  }
0x2f9: {  	[tilespmem:s5], [sflag:$0x3] =	stream.indirect.gather [hbm4b:s3+s12], $0x80, s31, s12, $0xb8;
	[tilespmem:$0x1D000] =	vst v63  }
0x2fa: {  	_ =	swait.ge [sflag:s18], $0x4000  }
0x2fb: {  	[sflag:s18] =	ssyncset.done $0x0  }
0x2fc: {  	s1 =	rddreg [dreg:$0xe];
	[sflag:s18] =	ssyncadd.s32 $0xFFFFC000  }
0x2fd: {  	[hbm4b:s1+s2] =	stream.linear.scatter [tilespmem:s4], [sflag:$0xB], $0x4000, $0x38;
	[tilespmem:$0x1D000] =	vst v63  }
0x2fe: {  	_ =	swait.ge [sflag:s11], $0x4000  }
0x2ff: {  	s30 =	sld [smem:$0x7F2]  }
0x300: {  	[sflag:s11] =	ssyncset.done $0x0  }
0x301: {  	[sflag:s11] =	ssyncadd.s32 $0xFFFFC000  }
0x302: {  	[tilespmem:s4], [sflag:$0x4] =	stream.indirect.gather [hbm4b:s3+s12], $0x80, s30, s12, $0xb8;
	[tilespmem:$0x1D000] =	vst v63  }
0x303: {  	_ =	swait.ge [sflag:s23], $0x4000  }
0x304: {  	[sflag:s23] =	ssyncset.done $0x0  }
0x305: {  	s31 =	rddreg [dreg:$0xf];
	[sflag:s23] =	ssyncadd.s32 $0xFFFFC000  }
0x306: {  	[hbm4b:s31+s2] =	stream.linear.scatter [tilespmem:s19], [sflag:$0xC], $0x4000, $0x38;
	[tilespmem:$0x1D000] =	vst v63  }
0x307: {  	_ =	swait.ge [sflag:s20], $0x4000  }
0x308: {  	s1 =	sld [smem:$0x7F3]  }
0x309: {  	[sflag:s20] =	ssyncset.done $0x0  }
0x30a: {  	[sflag:s20] =	ssyncadd.s32 $0xFFFFC000  }
0x30b: {  	[tilespmem:s19], [sflag:$0x5] =	stream.indirect.gather [hbm4b:s3+s12], $0x80, s1, s12, $0xb8;
	[tilespmem:$0x1D000] =	vst v63  }
0x30c: {  	_ =	swait.ge [sflag:s24], $0x4000  }
0x30d: {  	[sflag:s24] =	ssyncset.done $0x0  }
0x30e: {  	s30 =	rddreg [dreg:$0x10];
	[sflag:s24] =	ssyncadd.s32 $0xFFFFC000  }
0x30f: {  	[hbm4b:s30+s2] =	stream.linear.scatter [tilespmem:s17], [sflag:$0xD], $0x4000, $0x38;
	[tilespmem:$0x1D000] =	vst v63  }
0x310: {  	_ =	swait.ge [sflag:s22], $0x4000  }
0x311: {  	s31 =	sld [smem:$0x7F4]  }
0x312: {  	[sflag:s22] =	ssyncset.done $0x0  }
0x313: {  	[sflag:s22] =	ssyncadd.s32 $0xFFFFC000  }
0x314: {  	[tilespmem:s17], [sflag:$0x6] =	stream.indirect.gather [hbm4b:s3+s12], $0x80, s31, s12, $0xb8;
	[tilespmem:$0x1D000] =	vst v63  }
0x315: {  	_ =	swait.ge [sflag:s25], $0x4000  }
0x316: {  	[sflag:s25] =	ssyncset.done $0x0  }
0x317: {  	s1 =	rddreg [dreg:$0x11];
	[sflag:s25] =	ssyncadd.s32 $0xFFFFC000  }
0x318: {  	[hbm4b:s1+s2] =	stream.linear.scatter [tilespmem:s14], [sflag:$0xE], $0x4000, $0x38;
	[tilespmem:$0x1D000] =	vst v63  }
0x319: {  	_ =	swait.ge [sflag:s21], $0x4000  }
0x31a: {  	s30 =	sld [smem:$0x7F5]  }
0x31b: {  	[sflag:s21] =	ssyncset.done $0x0  }
0x31c: {  	[sflag:s21] =	ssyncadd.s32 $0xFFFFC000  }
0x31d: {  	[tilespmem:s14], [sflag:$0x7] =	stream.indirect.gather [hbm4b:s3+s12], $0x80, s30, s12, $0xb8;
	[tilespmem:$0x1D000] =	vst v63  }
0x31e: {  	_ =	swait.ge [sflag:s13], $0x4000  }
0x31f: {  	[sflag:s13] =	ssyncset.done $0x0  }
0x320: {  	s31 =	rddreg [dreg:$0x12];
	[sflag:s13] =	ssyncadd.s32 $0xFFFFC000  }
0x321: {  	[hbm4b:s31+s2] =	stream.linear.scatter [tilespmem:s8], [sflag:$0x8], $0x4000, $0x38;
	[tilespmem:$0x1D000] =	vst v63  }
0x322: {  	_ =	swait.ge [sflag:s6], $0x4000  }
0x323: {  	s1 =	sld [smem:$0x7F6]  }
0x324: {  	[sflag:s6] =	ssyncset.done $0x0  }
0x325: {  	[sflag:s6] =	ssyncadd.s32 $0xFFFFC000  }
0x326: {  	[tilespmem:s8], [sflag:$0x1] =	stream.indirect.gather [hbm4b:s3+s12], $0x80, s1, s12, $0xb8;
	[tilespmem:$0x1D000] =	vst v63  }
0x327: {  	_ =	swait.ge [sflag:s15], $0x4000  }
0x328: {  	[sflag:s15] =	ssyncset.done $0x0  }
0x329: {  	s30 =	rddreg [dreg:$0x13];
	[sflag:s15] =	ssyncadd.s32 $0xFFFFC000  }
0x32a: {  	[hbm4b:s30+s2] =	stream.linear.scatter [tilespmem:s7], [sflag:$0x9], $0x4000, $0x38;
	[tilespmem:$0x1D000] =	vst v63  }
0x32b: {  	_ =	swait.ge [sflag:s9], $0x4000  }
0x32c: {  	s31 =	sld [smem:$0x7F7]  }
0x32d: {  	[sflag:s9] =	ssyncset.done $0x0  }
0x32e: {  	[sflag:s9] =	ssyncadd.s32 $0xFFFFC000  }
0x32f: {  	[tilespmem:s7], [sflag:$0x2] =	stream.indirect.gather [hbm4b:s3+s12], $0x80, s31, s12, $0xb8;
	[tilespmem:$0x1D000] =	vst v63  }
0x330: {  	_ =	swait.ge [sflag:s16], $0x4000  }
0x331: {  	[sflag:s16] =	ssyncset.done $0x0  }
0x332: {  	s1 =	rddreg [dreg:$0x14];
	[sflag:s16] =	ssyncadd.s32 $0xFFFFC000  }
0x333: {  	[hbm4b:s1+s2] =	stream.linear.scatter [tilespmem:s5], [sflag:$0xA], $0x4000, $0x38;
	[tilespmem:$0x1D000] =	vst v63  }
0x334: {  	_ =	swait.ge [sflag:s10], $0x4000  }
0x335: {  	s30 =	sld [smem:$0x7F8]  }
0x336: {  	[sflag:s10] =	ssyncset.done $0x0  }
0x337: {  	[sflag:s10] =	ssyncadd.s32 $0xFFFFC000  }
0x338: {  	[tilespmem:s5], [sflag:$0x3] =	stream.indirect.gather [hbm4b:s3+s12], $0x80, s30, s12, $0xb8;
	[tilespmem:$0x1D000] =	vst v63  }
0x339: {  	_ =	swait.ge [sflag:s18], $0x4000  }
0x33a: {  	[sflag:s18] =	ssyncset.done $0x0  }
0x33b: {  	s31 =	rddreg [dreg:$0x15];
	[sflag:s18] =	ssyncadd.s32 $0xFFFFC000  }
0x33c: {  	[hbm4b:s31+s2] =	stream.linear.scatter [tilespmem:s4], [sflag:$0xB], $0x4000, $0x38;
	[tilespmem:$0x1D000] =	vst v63  }
0x33d: {  	_ =	swait.ge [sflag:s11], $0x4000  }
0x33e: {  	s1 =	sld [smem:$0x7F9]  }
0x33f: {  	[sflag:s11] =	ssyncset.done $0x0  }
0x340: {  	[sflag:s11] =	ssyncadd.s32 $0xFFFFC000  }
0x341: {  	[tilespmem:s4], [sflag:$0x4] =	stream.indirect.gather [hbm4b:s3+s12], $0x80, s1, s12, $0xb8;
	[tilespmem:$0x1D000] =	vst v63  }
0x342: {  	_ =	swait.ge [sflag:s23], $0x4000  }
0x343: {  	[sflag:s23] =	ssyncset.done $0x0  }
0x344: {  	s30 =	rddreg [dreg:$0x16];
	[sflag:s23] =	ssyncadd.s32 $0xFFFFC000  }
0x345: {  	[hbm4b:s30+s2] =	stream.linear.scatter [tilespmem:s19], [sflag:$0xC], $0x4000, $0x38;
	[tilespmem:$0x1D000] =	vst v63  }
0x346: {  	_ =	swait.ge [sflag:s20], $0x4000  }
0x347: {  	s31 =	sld [smem:$0x7FA]  }
0x348: {  	[sflag:s20] =	ssyncset.done $0x0  }
0x349: {  	[sflag:s20] =	ssyncadd.s32 $0xFFFFC000  }
0x34a: {  	[tilespmem:s19], [sflag:$0x5] =	stream.indirect.gather [hbm4b:s3+s12], $0x80, s31, s12, $0xb8;
	[tilespmem:$0x1D000] =	vst v63  }
0x34b: {  	_ =	swait.ge [sflag:s24], $0x4000  }
0x34c: {  	[sflag:s24] =	ssyncset.done $0x0  }
0x34d: {  	s1 =	rddreg [dreg:$0x17];
	[sflag:s24] =	ssyncadd.s32 $0xFFFFC000  }
0x34e: {  	[hbm4b:s1+s2] =	stream.linear.scatter [tilespmem:s17], [sflag:$0xD], $0x4000, $0x38;
	[tilespmem:$0x1D000] =	vst v63  }
0x34f: {  	_ =	swait.ge [sflag:s22], $0x4000  }
0x350: {  	s30 =	sld [smem:$0x7FB]  }
0x351: {  	[sflag:s22] =	ssyncset.done $0x0  }
0x352: {  	[sflag:s22] =	ssyncadd.s32 $0xFFFFC000  }
0x353: {  	[tilespmem:s17], [sflag:$0x6] =	stream.indirect.gather [hbm4b:s3+s12], $0x80, s30, s12, $0xb8;
	[tilespmem:$0x1D000] =	vst v63  }
0x354: {  	_ =	swait.ge [sflag:s25], $0x4000  }
0x355: {  	[sflag:s25] =	ssyncset.done $0x0  }
0x356: {  	s31 =	rddreg [dreg:$0x18];
	[sflag:s25] =	ssyncadd.s32 $0xFFFFC000  }
0x357: {  	[hbm4b:s31+s2] =	stream.linear.scatter [tilespmem:s14], [sflag:$0xE], $0x4000, $0x38;
	[tilespmem:$0x1D000] =	vst v63  }
0x358: {  	_ =	swait.ge [sflag:s21], $0x4000  }
0x359: {  	s1 =	sld [smem:$0x7FC]  }
0x35a: {  	[sflag:s21] =	ssyncset.done $0x0  }
0x35b: {  	[sflag:s21] =	ssyncadd.s32 $0xFFFFC000  }
0x35c: {  	[tilespmem:s14], [sflag:$0x7] =	stream.indirect.gather [hbm4b:s3+s12], $0x80, s1, s12, $0xb8;
	[tilespmem:$0x1D000] =	vst v63  }
0x35d: {  	_ =	swait.ge [sflag:s13], $0x4000  }
0x35e: {  	[sflag:s13] =	ssyncset.done $0x0  }
0x35f: {  	s30 =	rddreg [dreg:$0x19];
	[sflag:s13] =	ssyncadd.s32 $0xFFFFC000  }
0x360: {  	[hbm4b:s30+s2] =	stream.linear.scatter [tilespmem:s8], [sflag:$0x8], $0x4000, $0x38;
	[tilespmem:$0x1D000] =	vst v63  }
0x361: {  	_ =	swait.ge [sflag:s6], $0x4000  }
0x362: {  	s31 =	sld [smem:$0x7FD]  }
0x363: {  	[sflag:s6] =	ssyncset.done $0x0  }
0x364: {  	[sflag:s6] =	ssyncadd.s32 $0xFFFFC000  }
0x365: {  	[tilespmem:s8], [sflag:$0x1] =	stream.indirect.gather [hbm4b:s3+s12], $0x80, s31, s12, $0xb8;
	[tilespmem:$0x1D000] =	vst v63  }
0x366: {  	_ =	swait.ge [sflag:s15], $0x4000  }
0x367: {  	[sflag:s15] =	ssyncset.done $0x0  }
0x368: {  	s1 =	rddreg [dreg:$0x1a];
	[sflag:s15] =	ssyncadd.s32 $0xFFFFC000  }
0x369: {  	[hbm4b:s1+s2] =	stream.linear.scatter [tilespmem:s7], [sflag:$0x9], $0x4000, $0x38;
	[tilespmem:$0x1D000] =	vst v63  }
0x36a: {  	_ =	swait.ge [sflag:s9], $0x4000  }
0x36b: {  	[sflag:s9] =	ssyncset.done $0x0  }
0x36c: {  	[sflag:s9] =	ssyncadd.s32 $0xFFFFC000  }
0x36d: {  	[tilespmem:s7], [sflag:$0x2] =	stream.indirect.gather [hbm4b:s3+s12], $0x80, s28, s12, $0xb8;
	[tilespmem:$0x1D000] =	vst v63  }
0x36e: {  	_ =	swait.ge [sflag:s16], $0x4000  }
0x36f: {  	[sflag:s16] =	ssyncset.done $0x0  }
0x370: {  	s30 =	rddreg [dreg:$0x1b];
	[sflag:s16] =	ssyncadd.s32 $0xFFFFC000  }
0x371: {  	[hbm4b:s30+s2] =	stream.linear.scatter [tilespmem:s5], [sflag:$0xA], $0x4000, $0x38;
	[tilespmem:$0x1D000] =	vst v63  }
0x372: {  	_ =	swait.ge [sflag:s10], $0x4000  }
0x373: {  	[sflag:s10] =	ssyncset.done $0x0  }
0x374: {  	[sflag:s10] =	ssyncadd.s32 $0xFFFFC000  }
0x375: {  	[tilespmem:s5], [sflag:$0x3] =	stream.indirect.gather [hbm4b:s3+s12], $0x80, s29, s12, $0xb8;
	[tilespmem:$0x1D000] =	vst v63  }
0x376: {  	_ =	swait.ge [sflag:s18], $0x4000  }
0x377: {  	[sflag:s18] =	ssyncset.done $0x0  }
0x378: {  	s31 =	rddreg [dreg:$0x1c];
	[sflag:s18] =	ssyncadd.s32 $0xFFFFC000  }
0x379: {  	[hbm4b:s31+s2] =	stream.linear.scatter [tilespmem:s4], [sflag:$0xB], $0x4000, $0x38;
	[tilespmem:$0x1D000] =	vst v63  }
0x37a: {  	_ =	swait.ge [sflag:s11], $0x4000  }
0x37b: {  	[sflag:s11] =	ssyncset.done $0x0  }
0x37c: {  	s1 =	simm.s32 $0xF80;
	[sflag:s11] =	ssyncadd.s32 $0xFFFFC000  }
0x37d: {  	[tilespmem:s4], [sflag:$0x4] =	stream.indirect.gather [hbm4b:s3+s12], $0x80, s1, s12, $0xb8;
	[tilespmem:$0x1D000] =	vst v63  }
0x37e: {  	_ =	swait.ge [sflag:s23], $0x4000  }
0x37f: {  	[sflag:s23] =	ssyncset.done $0x0  }
0x380: {  	s12 =	rddreg [dreg:$0x1d];
	[sflag:s23] =	ssyncadd.s32 $0xFFFFC000  }
0x381: {  	[hbm4b:s12+s2] =	stream.linear.scatter [tilespmem:s19], [sflag:$0xC], $0x4000, $0x38;
	[tilespmem:$0x1D000] =	vst v63  }
0x382: {  	_ =	swait.ge [sflag:s24], $0x4000  }
0x383: {  	[sflag:s24] =	ssyncset.done $0x0  }
0x384: {  	s23 =	rddreg [dreg:$0x1e];
	[sflag:s24] =	ssyncadd.s32 $0xFFFFC000  }
0x385: {  	[hbm4b:s23+s2] =	stream.linear.scatter [tilespmem:s17], [sflag:$0xD], $0x4000, $0x38;
	[tilespmem:$0x1D000] =	vst v63  }
0x386: {  	_ =	swait.ge [sflag:s25], $0x4000  }
0x387: {  	[sflag:s25] =	ssyncset.done $0x0  }
0x388: {  	s24 =	rddreg [dreg:$0x1f];
	[sflag:s25] =	ssyncadd.s32 $0xFFFFC000  }
0x389: {  	[hbm4b:s24+s2] =	stream.linear.scatter [tilespmem:s14], [sflag:$0xE], $0x4000, $0x38;
	[tilespmem:$0x1D000] =	vst v63  }
0x38a: {  	_ =	swait.ge [sflag:s13], $0x4000  }
0x38b: {  	s28 =	sld [smem:$0x7DF]  }
0x38c: {  	[sflag:s13] =	ssyncset.done $0x0  }
0x38d: {  	[sflag:s13] =	ssyncadd.s32 $0xFFFFC000  }
0x38e: {  	[hbm4b:s28+s2] =	stream.linear.scatter [tilespmem:s8], [sflag:$0x8], $0x4000, $0x38;
	[tilespmem:$0x1D000] =	vst v63  }
0x38f: {  	_ =	swait.ge [sflag:s15], $0x4000  }
0x390: {  	s29 =	sld [smem:$0x7E0]  }
0x391: {  	[sflag:s15] =	ssyncset.done $0x0  }
0x392: {  	[sflag:s15] =	ssyncadd.s32 $0xFFFFC000  }
0x393: {  	[hbm4b:s29+s2] =	stream.linear.scatter [tilespmem:s7], [sflag:$0x9], $0x4000, $0x38;
	[tilespmem:$0x1D000] =	vst v63  }
0x394: {  	_ =	swait.ge [sflag:s16], $0x4000  }
0x395: {  	s30 =	sld [smem:$0x7E1]  }
0x396: {  	[sflag:s16] =	ssyncset.done $0x0  }
0x397: {  	[sflag:s16] =	ssyncadd.s32 $0xFFFFC000  }
0x398: {  	[hbm4b:s30+s2] =	stream.linear.scatter [tilespmem:s5], [sflag:$0xA], $0x4000, $0x38;
	[tilespmem:$0x1D000] =	vst v63  }
0x399: {  	_ =	swait.ge [sflag:s18], $0x4000  }
0x39a: {  	s31 =	sld [smem:$0x7E2]  }
0x39b: {  	[sflag:s18] =	ssyncset.done $0x0  }
0x39c: {  	[sflag:s18] =	ssyncadd.s32 $0xFFFFC000  }
0x39d: {  	[hbm4b:s31+s2] =	stream.linear.scatter [tilespmem:s4], [sflag:$0xB], $0x4000, $0x38;
	[tilespmem:$0x1D000] =	vst v63  }
0x39e: {  	_ =	swait.ge [sflag:s20], $0x4000  }
0x39f: {  	[sflag:s20] =	ssyncset.done $0x0  }
0x3a0: {  	[sflag:s20] =	ssyncadd.s32 $0xFFFFC000  }
0x3a1: {  	_ =	swait.ge [sflag:s22], $0x4000  }
0x3a2: {  	[sflag:s22] =	ssyncset.done $0x0  }
0x3a3: {  	[sflag:s22] =	ssyncadd.s32 $0xFFFFC000  }
0x3a4: {  	_ =	swait.ge [sflag:s21], $0x4000  }
0x3a5: {  	[sflag:s21] =	ssyncset.done $0x0  }
0x3a6: {  	[sflag:s21] =	ssyncadd.s32 $0xFFFFC000  }
0x3a7: {  	_ =	swait.ge [sflag:s6], $0x4000  }
0x3a8: {  	[sflag:s6] =	ssyncset.done $0x0  }
0x3a9: {  	[sflag:s6] =	ssyncadd.s32 $0xFFFFC000  }
0x3aa: {  	_ =	swait.ge [sflag:s9], $0x4000  }
0x3ab: {  	[sflag:s9] =	ssyncset.done $0x0  }
0x3ac: {  	[sflag:s9] =	ssyncadd.s32 $0xFFFFC000  }
0x3ad: {  	_ =	swait.ge [sflag:s10], $0x4000  }
0x3ae: {  	[sflag:s10] =	ssyncset.done $0x0  }
0x3af: {  	[sflag:s10] =	ssyncadd.s32 $0xFFFFC000  }
0x3b0: {  	_ =	swait.ge [sflag:s11], $0x4000  }
0x3b1: {  	[sflag:s11] =	ssyncset.done $0x0  }
0x3b2: {  	[sflag:s11] =	ssyncadd.s32 $0xFFFFC000  }
0x3b3: {  	_ =	sfence.sel $0x180000  }
0x3b4: {  	[bflag:$0x0] =	sbarrier.arrive $0xFFFF  }
0x3b5: {  	_ =	strace $0x90000047  }
0x3b6: {  	[bflag:$0x2] =	sbarrier.arrive $0xFFFF  }
0x3b7: {  	p0 =	sne.s32 s26, $0x0;
	s0 =	rddreg [dreg:$0x3]  }
0x3b8: {  	s0 =	sadd.s32 @!p0 $0x100000, s0  }
0x3b9: {  	[sflag:s0] =	ssyncadd.tile.s32 @!p0 $0x1;
	_ =	shalt  }
.LBB2_1:
.Ltmp3:
0x3ba: {  	(pc) =	sbr.rel .LBB2_6-.Ltmp3, $2  }
0x3bb: {  	_ =	sdelay $0x2  }
0x3bc: {  	s28 =	simm.s32 $0xE80;
	s29 =	simm.s32 $0xF00  }
.LBB2_3:
.Ltmp4:
0x3bd: {  	(pc) =	sbr.rel .LBB2_6-.Ltmp4, $2  }
0x3be: {  	_ =	sdelay $0x2  }
0x3bf: {  	s28 =	simm.s32 $0xE80;
	s29 =	simm.s32 $0xF00;
	s26 =	stileid.u32  }
.Lfunc_end2:
_tile_overlayer_lowered:
.L_overlay_start_2:
0x3c0: {  	(tag) =	ssettag $0x2  }
0x3c1: {  	s0 =	rddreg [dreg:$0x0];
	s2 =	stileid.u32  }
0x3c2: {  	s1 =	rddreg [dreg:$0x1];
	p0 =	sne.s32 s2, $0x0  }
0x3c3: {  	s3 =	rddreg [dreg:$0x2];
	[bflag:$0x3] =	sbarrier.arrive $0xFFFF;
	s2 =	simm.s32 @!p0 $0x1C0F  }
0x3c4: {  	[timem:s3], [sflag:s2] =	dma.local @!p0 [hbm:s0], s1  }
0x3c5: {  	s0 =	simm.s32 @!p0 $0xF  }
0x3c6: {  	_ =	swait.ge @!p0 [sflag:s0], s1  }
0x3c7: {  	s1 =	ssub.s32 @!p0 $0x0, s1;
	[sflag:s0] =	ssyncset.done @!p0 $0x0  }
0x3c8: {  	[sflag:s0] =	ssyncadd.s32 @!p0 s1  }
0x3c9: {  	[bflag:$0x3] =	sbarrier.arrive $0xFFFF  }
0x3ca: {  	_ =	shalt  }

</sc_bundles>
